<compile_context>
chip_gen: v7x
topology: tpu7x:2x2x1
jax: 0.10.2.dev20260603
libtpu: 0.0.44.dev20260713+nightly
codegen_flags: <defaults>
</compile_context>

<pallas_src>
import functools

import jax
import jax.numpy as jnp
from jax import lax
from jax.experimental import pallas as pl
from jax.experimental.pallas import tpu as pltpu
from jax.experimental.pallas import tpu_sc as plsc

N = 10000
NP = 10240
E = 320000
NW = 32
CHUNK = 128
CPW = 80
EP = NW * CPW * CHUNK
NB = 8
LA = 4
PAD_NODE = 10100
ROWS_PT = NP // 16

_f32 = jnp.float32


def _mm_body(x_ref, w_ref, o_ref):
    o_ref[...] = jnp.dot(x_ref[...], w_ref[...], preferred_element_type=_f32)


def _mm(x_pad, w_cat):
    return pl.pallas_call(
        _mm_body,
        out_shape=jax.ShapeDtypeStruct((NP, 32), _f32),
    )(x_pad, w_cat)


def _deg_body(dst_hbm, part_hbm, idx_v, deg_v):
    c = lax.axis_index("c")
    s = lax.axis_index("s")
    wid = s * 2 + c

    def zero_row(i, carry):
        deg_v[pl.ds(i * 16, 16)] = jnp.zeros((16,), _f32)
        return carry

    lax.fori_loop(0, NP // 16, zero_row, 0)
    pltpu.sync_copy(dst_hbm.at[wid], idx_v)

    ones = jnp.ones((16,), _f32)

    def row(r, carry):
        for k in range(CHUNK // 16):
            dvec = idx_v[r, pl.ds(k * 16, 16)]
            plsc.addupdate_scatter(deg_v, [dvec], ones)
        return carry

    lax.fori_loop(0, CPW, row, 0)
    pltpu.sync_copy(deg_v, part_hbm.at[wid])


def _deg(dst3):
    mesh = plsc.VectorSubcoreMesh(
        core_axis_name="c", subcore_axis_name="s", num_cores=2, num_subcores=16
    )
    return pl.kernel(
        _deg_body,
        out_type=jax.ShapeDtypeStruct((NW, NP), _f32),
        mesh=mesh,
        scratch_types=[
            pltpu.VMEM((CPW, CHUNK), jnp.int32),
            pltpu.VMEM((NP,), _f32),
        ],
        compiler_params=pltpu.CompilerParams(
            use_tc_tiling_on_sc=False, needs_layout_passes=False
        ),
    )(dst3)


def _scale_body(part_ref, xw_ref, ones_ref, y_ref, dinv_ref):
    deg = (
        lax.dot_general(
            part_ref[...], ones_ref[...],
            (((0,), (0,)), ((), ())),
            preferred_element_type=_f32,
        )
        + 1.0
    )
    dinv = lax.rsqrt(deg)
    dinv_ref[...] = dinv
    y_ref[...] = dinv * xw_ref[...]


def _scale(partials, xw):
    ones = jnp.ones((NW, 1), _f32)
    return pl.pallas_call(
        _scale_body,
        out_shape=(
            jax.ShapeDtypeStruct((NP, 32), _f32),
            jax.ShapeDtypeStruct((NP, 1), _f32),
        ),
    )(partials, xw, ones)


def _edges_body(y_hbm, src_hbm, dst_hbm, acc_hbm, src_v, dst_v, rows, zero_v,
                y_sh, acc_sh, sem_g, sem_s):
    c = lax.axis_index("c")
    s = lax.axis_index("s")
    wid = s * 2 + c

    def zero_row(i, carry):
        zero_v[i, pl.ds(0, 16)] = jnp.zeros((16,), _f32)
        zero_v[i, pl.ds(16, 16)] = jnp.zeros((16,), _f32)
        return carry

    lax.fori_loop(0, ROWS_PT, zero_row, 0)
    pltpu.sync_copy(zero_v, acc_sh.at[pl.ds(s * ROWS_PT, ROWS_PT)])
    pltpu.sync_copy(
        y_hbm.at[pl.ds(s * ROWS_PT, ROWS_PT)],
        y_sh.at[pl.ds(s * ROWS_PT, ROWS_PT)],
    )
    pltpu.sync_copy(src_hbm.at[wid], src_v)
    pltpu.sync_copy(dst_hbm.at[wid], dst_v)
    plsc.subcore_barrier()

    def gather(i, b):
        pltpu.async_copy(y_sh.at[src_v.at[i]], rows.at[b], sem_g.at[b])

    def gather_wait(i, b):
        pltpu.make_async_copy(y_sh.at[src_v.at[i]], rows.at[b], sem_g.at[b]).wait()

    def scat(i, b):
        pltpu.async_copy(rows.at[b], acc_sh.at[dst_v.at[i]], sem_s.at[b], add=True)

    def scat_wait(i, b):
        pltpu.make_async_copy(rows.at[b], acc_sh.at[dst_v.at[i]], sem_s.at[b]).wait()

    for b in range(LA):
        gather(b, b)

    def group(g, carry):
        base = g * NB
        for b in range(NB):
            i = base + b
            gather_wait(i, b)
            scat(i, b)
            j = i + LA
            bj = (b + LA) % NB

            @pl.when(j >= NB)
            def _():
                @pl.when(j < CPW)
                def _():
                    scat_wait(j - NB, bj)

            @pl.when(j < CPW)
            def _():
                gather(j, bj)
        return carry

    lax.fori_loop(0, CPW // NB, group, 0)
    for k in range(NB):
        i = CPW - NB + k
        scat_wait(i, i % NB)
    plsc.subcore_barrier()
    pltpu.sync_copy(
        acc_sh.at[pl.ds(s * ROWS_PT, ROWS_PT)],
        acc_hbm.at[c, pl.ds(s * ROWS_PT, ROWS_PT)],
    )


def _edges(y, src3, dst3):
    mesh = plsc.VectorSubcoreMesh(
        core_axis_name="c", subcore_axis_name="s", num_cores=2, num_subcores=16
    )
    return pl.kernel(
        _edges_body,
        out_type=jax.ShapeDtypeStruct((2, NP, 32), _f32),
        mesh=mesh,
        scratch_types=[
            pltpu.VMEM((CPW, CHUNK), jnp.int32),
            pltpu.VMEM((CPW, CHUNK), jnp.int32),
            pltpu.VMEM((NB, CHUNK, 32), _f32),
            pltpu.VMEM((ROWS_PT, 32), _f32),
            pltpu.VMEM_SHARED((NP, 32), _f32),
            pltpu.VMEM_SHARED((NP, 32), _f32),
            pltpu.SemaphoreType.DMA((NB,)),
            pltpu.SemaphoreType.DMA((NB,)),
        ],
        compiler_params=pltpu.CompilerParams(
            use_tc_tiling_on_sc=False, needs_layout_passes=False
        ),
    )(y, src3, dst3)


def _finish_body(acc_ref, y_ref, dinv_ref, b_ref, eps_ref, z_ref, mu_ref, lv_ref):
    s = dinv_ref[...] * (acc_ref[0] + acc_ref[1] + y_ref[...]) + b_ref[...]
    h = jnp.maximum(s, 0.0)
    mu = h[:, :16]
    lv = h[:, 16:]
    mu_ref[...] = mu
    lv_ref[...] = lv
    z_ref[...] = eps_ref[...] * jnp.exp(0.5 * lv) + mu


def _finish(acc, y, dinv, b_cat, eps):
    return pl.pallas_call(
        _finish_body,
        out_shape=(
            jax.ShapeDtypeStruct((NP, 16), _f32),
            jax.ShapeDtypeStruct((NP, 16), _f32),
            jax.ShapeDtypeStruct((NP, 16), _f32),
        ),
    )(acc, y, dinv, b_cat, eps)


def kernel(x, edge_index, W_mu, b_mu, W_logvar, b_logvar):
    pad_e = jnp.full((EP - E,), PAD_NODE, jnp.int32)
    src3 = jnp.concatenate([edge_index[0], pad_e]).reshape(NW, CPW, CHUNK)
    dst3 = jnp.concatenate([edge_index[1], pad_e]).reshape(NW, CPW, CHUNK)
    x_pad = jnp.concatenate([x, jnp.zeros((NP - N, 128), _f32)])
    w_cat = jnp.concatenate([W_mu, W_logvar], axis=1)
    b_cat = jnp.concatenate([b_mu, b_logvar])[None, :]
    eps = jax.random.normal(jax.random.key(42), (N, 16), _f32)
    eps = jnp.concatenate([eps, jnp.zeros((NP - N, 16), _f32)])

    xw = _mm(x_pad, w_cat)
    partials = _deg(dst3)
    y, dinv = _scale(partials, xw)
    acc = _edges(y, src3, dst3)
    z, mu, lv = _finish(acc, y, dinv, b_cat, eps)
    return (z[:N], mu[:N], lv[:N])

# --- scband reference (transcript-rebuilt; emitter-appended) ---
"""Pipeline reference for scband-vgae-8160437862467 (READ-ONLY COPY).

The authoritative reference and input builder live on the scoring server;
editing this copy changes nothing except your own understanding.
"""

import jax, jax.numpy as jnp
import numpy as np

N_NODES = 10000
N_EDGES = 320000
D_IN = 128
D_OUT = 16


def gcn_conv(x, edge_index, W, b):
    # PyG GCNConv with add_self_loops=True, symmetric normalization, separate bias.
    n = x.shape[0]
    loop = jnp.arange(n, dtype=edge_index.dtype)
    src = jnp.concatenate([edge_index[0], loop])
    dst = jnp.concatenate([edge_index[1], loop])
    deg = jnp.zeros((n,), x.dtype).at[dst].add(1.0)
    deg_inv_sqrt = jnp.where(deg > 0, deg ** -0.5, 0.0)
    norm = deg_inv_sqrt[src] * deg_inv_sqrt[dst]
    xw = x @ W  # lin (no bias inside lin, matches PyG)
    msg = jnp.take(xw, src, axis=0) * norm[:, None]
    out = jnp.zeros((n, W.shape[1]), x.dtype).at[dst].add(msg)
    return out + b


def setup_inputs(seed: int = 0) -> dict:
    key = jax.random.key(seed)
    k1, k2, k3, k4 = jax.random.split(key, 4)
    x = jax.random.normal(k1, (N_NODES, D_IN), dtype=jnp.float32)
    # int32 indices so the module runs without jax x64 mode (semantically int64 indices)
    edge_index = jax.random.randint(k2, (2, N_EDGES), 0, N_NODES, dtype=jnp.int32)
    std = float(np.sqrt(2.0 / (D_IN + D_OUT)))  # xavier_normal_
    W_mu = jax.random.normal(k3, (D_IN, D_OUT), dtype=jnp.float32) * std
    W_logvar = jax.random.normal(k4, (D_IN, D_OUT), dtype=jnp.float32) * std
    b_mu = jnp.zeros((D_OUT,), jnp.float32)
    b_logvar = jnp.zeros((D_OUT,), jnp.float32)
    return {"x": x, "edge_index": edge_index, "W_mu": W_mu, "b_mu": b_mu,
            "W_logvar": W_logvar, "b_logvar": b_logvar}


def reference(x, edge_index, W_mu, b_mu, W_logvar, b_logvar):
    mu = jax.nn.relu(gcn_conv(x, edge_index, W_mu, b_mu))
    logvar = jax.nn.relu(gcn_conv(x, edge_index, W_logvar, b_logvar))
    # reparameterize (module is in training mode by default); fixed key for determinism
    std = jnp.exp(0.5 * logvar)
    eps = jax.random.normal(jax.random.key(42), std.shape, std.dtype)
    z = eps * std + mu
    return (z, mu, logvar)

if __name__ == "__main__":
    import jax
    _d = setup_inputs()
    print(jax.jit(kernel)(*tuple(_d.values())))

</pallas_src>

<mosaic_0001>
#map = affine_map<(d0, d1) -> (0, 0, 0)>
#map1 = affine_map<(d0, d1) -> (0, 0)>
module attributes {stable_mosaic.version = 14 : i64} {
  func.func @_deg_body(%arg0: i32, %arg1: i32, %arg2: memref<32x80x128xi32, #tpu.memory_space<hbm>>, %arg3: memref<32x10240xf32, #tpu.memory_space<hbm>>, %arg4: memref<80x128xi32, #tpu.memory_space<vmem>>, %arg5: memref<10240xf32, #tpu.memory_space<vmem>>) attributes {dimension_semantics = [#tpu.dimension_semantics<core_parallel>, #tpu.dimension_semantics<subcore_parallel>], iteration_bounds = array<i64: 2, 16>, scalar_prefetch = 0 : i64, scratch_operands = 2 : i64, tpu.core_type = #tpu.core_type<sc_vector_subcore>, window_params = [{transform_indices = #map}, {transform_indices = #map1}]} {
    %mul3A = arith.constant 2 : i32
    %mul3A_0 = arith.muli %arg1, %mul3A : i32
    %add3A = arith.addi %mul3A_0, %arg0 : i32
    %scan3A = arith.constant 0 : i32
    %scan3A_1 = arith.constant 0 : i32
    %scan3A_2 = arith.constant 640 : i32
    %scan3A_3 = arith.addi %scan3A_1, %scan3A_2 : i32
    %scan3A_4 = arith.constant 1 : i32
    scf.for %scan3A_13 = %scan3A_1 to %scan3A_3 step %scan3A_4  : i32 {
      %broadcast_in_dim3A_14 = arith.constant 0.000000e+00 : f32
      %broadcast_in_dim3A_15 = vector.broadcast %broadcast_in_dim3A_14 : f32 to vector<16xf32>
      %mul3A_16 = arith.constant 16 : i32
      %mul3A_17 = arith.muli %scan3A_13, %mul3A_16 : i32
      %swap3A = arith.index_cast %mul3A_17 : i32 to index
      %swap3A_18 = tpu.vector_load %arg5[%swap3A] {strides = array<i32>} : memref<10240xf32, #tpu.memory_space<vmem>>, vector<16xf32>,
      tpu.vector_store %arg5[%swap3A], %broadcast_in_dim3A_15 {strides = array<i32>} : memref<10240xf32, #tpu.memory_space<vmem>>, vector<16xf32>,
    }
    %scan3A_5 = arith.constant 640 : i32
    "tpu.region"() ({
      %run_scoped3A = tpu.sem_alloc : memref<!tpu.dma_semaphore, #tpu.memory_space<semaphore_mem>>
      %dma_start3A = arith.constant 0 : i32
      %dma_start3A_13 = arith.constant 0 : i32
      %dma_start3A_14 = tpu.memref_slice %arg2[%add3A, %dma_start3A, %dma_start3A_13] : memref<32x80x128xi32, #tpu.memory_space<hbm>> -> memref<1x80x128xi32, #tpu.memory_space<hbm>>
      %dma_start3A_15 = tpu.memref_squeeze %dma_start3A_14 : memref<1x80x128xi32, #tpu.memory_space<hbm>> -> memref<80x128xi32, #tpu.memory_space<hbm>>
      %dma_start3A_16 = arith.constant 0 : i32
      %dma_start3A_17 = arith.constant 0 : i32
      %dma_start3A_18 = tpu.memref_slice %arg2[%add3A, %dma_start3A_16, %dma_start3A_17] : memref<32x80x128xi32, #tpu.memory_space<hbm>> -> memref<1x80x128xi32, #tpu.memory_space<hbm>>
      %dma_start3A_19 = tpu.memref_squeeze %dma_start3A_18 : memref<1x80x128xi32, #tpu.memory_space<hbm>> -> memref<80x128xi32, #tpu.memory_space<hbm>>
      tpu.enqueue_dma source(%dma_start3A_19 : memref<80x128xi32, #tpu.memory_space<hbm>>) target(%arg4 : memref<80x128xi32, #tpu.memory_space<vmem>>) target_semaphore(%run_scoped3A : memref<!tpu.dma_semaphore, #tpu.memory_space<semaphore_mem>>)
      %dma_wait3A = arith.constant 0 : i32
      %dma_wait3A_20 = arith.constant 0 : i32
      %dma_wait3A_21 = tpu.memref_slice %arg2[%add3A, %dma_wait3A, %dma_wait3A_20] : memref<32x80x128xi32, #tpu.memory_space<hbm>> -> memref<1x80x128xi32, #tpu.memory_space<hbm>>
      %dma_wait3A_22 = tpu.memref_squeeze %dma_wait3A_21 : memref<1x80x128xi32, #tpu.memory_space<hbm>> -> memref<80x128xi32, #tpu.memory_space<hbm>>
      %dma_wait3A_23 = arith.constant 0 : i32
      %dma_wait3A_24 = arith.constant 0 : i32
      %dma_wait3A_25 = tpu.memref_slice %arg2[%add3A, %dma_wait3A_23, %dma_wait3A_24] : memref<32x80x128xi32, #tpu.memory_space<hbm>> -> memref<1x80x128xi32, #tpu.memory_space<hbm>>
      %dma_wait3A_26 = tpu.memref_squeeze %dma_wait3A_25 : memref<1x80x128xi32, #tpu.memory_space<hbm>> -> memref<80x128xi32, #tpu.memory_space<hbm>>
      tpu.wait_dma2 semaphore(%run_scoped3A : memref<!tpu.dma_semaphore, #tpu.memory_space<semaphore_mem>>) src(%dma_wait3A_26 : memref<80x128xi32, #tpu.memory_space<hbm>>) dst(%arg4 : memref<80x128xi32, #tpu.memory_space<vmem>>)
      tpu.yield
    }) : () -> ()
    %broadcast_in_dim3A = arith.constant 1.000000e+00 : f32
    %broadcast_in_dim3A_6 = vector.broadcast %broadcast_in_dim3A : f32 to vector<16xf32>
    %scan3A_7 = arith.constant 0 : i32
    %scan3A_8 = arith.constant 0 : i32
    %scan3A_9 = arith.constant 80 : i32
    %scan3A_10 = arith.addi %scan3A_8, %scan3A_9 : i32
    %scan3A_11 = arith.constant 1 : i32
    scf.for %scan3A_13 = %scan3A_8 to %scan3A_10 step %scan3A_11  : i32 {
      %get3A = arith.index_cast %scan3A_13 : i32 to index
      %get3A_14 = arith.constant 0 : index
      %get3A_15 = tpu.vector_load %arg4[%get3A, %get3A_14] {strides = array<i32>} : memref<80x128xi32, #tpu.memory_space<vmem>>, vector<16xi32>,
      tpu.vector_store_idx %arg5[%get3A_15], %broadcast_in_dim3A_6 {add = true} : memref<10240xf32, #tpu.memory_space<vmem>>[vector<16xi32>], vector<16xf32>,
      %get3A_16 = arith.index_cast %scan3A_13 : i32 to index
      %get3A_17 = arith.constant 16 : index
      %get3A_18 = tpu.vector_load %arg4[%get3A_16, %get3A_17] {strides = array<i32>} : memref<80x128xi32, #tpu.memory_space<vmem>>, vector<16xi32>,
      tpu.vector_store_idx %arg5[%get3A_18], %broadcast_in_dim3A_6 {add = true} : memref<10240xf32, #tpu.memory_space<vmem>>[vector<16xi32>], vector<16xf32>,
      %get3A_19 = arith.index_cast %scan3A_13 : i32 to index
      %get3A_20 = arith.constant 32 : index
      %get3A_21 = tpu.vector_load %arg4[%get3A_19, %get3A_20] {strides = array<i32>} : memref<80x128xi32, #tpu.memory_space<vmem>>, vector<16xi32>,
      tpu.vector_store_idx %arg5[%get3A_21], %broadcast_in_dim3A_6 {add = true} : memref<10240xf32, #tpu.memory_space<vmem>>[vector<16xi32>], vector<16xf32>,
      %get3A_22 = arith.index_cast %scan3A_13 : i32 to index
      %get3A_23 = arith.constant 48 : index
      %get3A_24 = tpu.vector_load %arg4[%get3A_22, %get3A_23] {strides = array<i32>} : memref<80x128xi32, #tpu.memory_space<vmem>>, vector<16xi32>,
      tpu.vector_store_idx %arg5[%get3A_24], %broadcast_in_dim3A_6 {add = true} : memref<10240xf32, #tpu.memory_space<vmem>>[vector<16xi32>], vector<16xf32>,
      %get3A_25 = arith.index_cast %scan3A_13 : i32 to index
      %get3A_26 = arith.constant 64 : index
      %get3A_27 = tpu.vector_load %arg4[%get3A_25, %get3A_26] {strides = array<i32>} : memref<80x128xi32, #tpu.memory_space<vmem>>, vector<16xi32>,
      tpu.vector_store_idx %arg5[%get3A_27], %broadcast_in_dim3A_6 {add = true} : memref<10240xf32, #tpu.memory_space<vmem>>[vector<16xi32>], vector<16xf32>,
      %get3A_28 = arith.index_cast %scan3A_13 : i32 to index
      %get3A_29 = arith.constant 80 : index
      %get3A_30 = tpu.vector_load %arg4[%get3A_28, %get3A_29] {strides = array<i32>} : memref<80x128xi32, #tpu.memory_space<vmem>>, vector<16xi32>,
      tpu.vector_store_idx %arg5[%get3A_30], %broadcast_in_dim3A_6 {add = true} : memref<10240xf32, #tpu.memory_space<vmem>>[vector<16xi32>], vector<16xf32>,
      %get3A_31 = arith.index_cast %scan3A_13 : i32 to index
      %get3A_32 = arith.constant 96 : index
      %get3A_33 = tpu.vector_load %arg4[%get3A_31, %get3A_32] {strides = array<i32>} : memref<80x128xi32, #tpu.memory_space<vmem>>, vector<16xi32>,
      tpu.vector_store_idx %arg5[%get3A_33], %broadcast_in_dim3A_6 {add = true} : memref<10240xf32, #tpu.memory_space<vmem>>[vector<16xi32>], vector<16xf32>,
      %get3A_34 = arith.index_cast %scan3A_13 : i32 to index
      %get3A_35 = arith.constant 112 : index
      %get3A_36 = tpu.vector_load %arg4[%get3A_34, %get3A_35] {strides = array<i32>} : memref<80x128xi32, #tpu.memory_space<vmem>>, vector<16xi32>,
      tpu.vector_store_idx %arg5[%get3A_36], %broadcast_in_dim3A_6 {add = true} : memref<10240xf32, #tpu.memory_space<vmem>>[vector<16xi32>], vector<16xf32>,
    }
    %scan3A_12 = arith.constant 80 : i32
    "tpu.region"() ({
      %run_scoped3A = tpu.sem_alloc : memref<!tpu.dma_semaphore, #tpu.memory_space<semaphore_mem>>
      %dma_start3A = arith.constant 0 : i32
      %dma_start3A_13 = tpu.memref_slice %arg3[%add3A, %dma_start3A] : memref<32x10240xf32, #tpu.memory_space<hbm>> -> memref<1x10240xf32, #tpu.memory_space<hbm>>
      %dma_start3A_14 = tpu.memref_squeeze %dma_start3A_13 : memref<1x10240xf32, #tpu.memory_space<hbm>> -> memref<10240xf32, #tpu.memory_space<hbm>>
      %dma_start3A_15 = arith.constant 0 : i32
      %dma_start3A_16 = tpu.memref_slice %arg3[%add3A, %dma_start3A_15] : memref<32x10240xf32, #tpu.memory_space<hbm>> -> memref<1x10240xf32, #tpu.memory_space<hbm>>
      %dma_start3A_17 = tpu.memref_squeeze %dma_start3A_16 : memref<1x10240xf32, #tpu.memory_space<hbm>> -> memref<10240xf32, #tpu.memory_space<hbm>>
      tpu.enqueue_dma source(%arg5 : memref<10240xf32, #tpu.memory_space<vmem>>) target(%dma_start3A_17 : memref<10240xf32, #tpu.memory_space<hbm>>) target_semaphore(%run_scoped3A : memref<!tpu.dma_semaphore, #tpu.memory_space<semaphore_mem>>)
      %dma_wait3A = arith.constant 0 : i32
      %dma_wait3A_18 = tpu.memref_slice %arg3[%add3A, %dma_wait3A] : memref<32x10240xf32, #tpu.memory_space<hbm>> -> memref<1x10240xf32, #tpu.memory_space<hbm>>
      %dma_wait3A_19 = tpu.memref_squeeze %dma_wait3A_18 : memref<1x10240xf32, #tpu.memory_space<hbm>> -> memref<10240xf32, #tpu.memory_space<hbm>>
      %dma_wait3A_20 = arith.constant 0 : i32
      %dma_wait3A_21 = tpu.memref_slice %arg3[%add3A, %dma_wait3A_20] : memref<32x10240xf32, #tpu.memory_space<hbm>> -> memref<1x10240xf32, #tpu.memory_space<hbm>>
      %dma_wait3A_22 = tpu.memref_squeeze %dma_wait3A_21 : memref<1x10240xf32, #tpu.memory_space<hbm>> -> memref<10240xf32, #tpu.memory_space<hbm>>
      tpu.wait_dma2 semaphore(%run_scoped3A : memref<!tpu.dma_semaphore, #tpu.memory_space<semaphore_mem>>) src(%arg5 : memref<10240xf32, #tpu.memory_space<vmem>>) dst(%dma_wait3A_22 : memref<10240xf32, #tpu.memory_space<hbm>>)
      tpu.yield
    }) : () -> ()
    return
  }
}

#map = affine_map<(d0, d1) -> (0, 0)>
#map1 = affine_map<(d0, d1) -> (0, 0, 0)>
module attributes {stable_mosaic.version = 14 : i64} {
  func.func @_edges_body(%arg0: i32, %arg1: i32, %arg2: memref<10240x32xf32, #tpu.memory_space<hbm>>, %arg3: memref<32x80x128xi32, #tpu.memory_space<hbm>>, %arg4: memref<32x80x128xi32, #tpu.memory_space<hbm>>, %arg5: memref<2x10240x32xf32, #tpu.memory_space<hbm>>, %arg6: memref<80x128xi32, #tpu.memory_space<vmem>>, %arg7: memref<80x128xi32, #tpu.memory_space<vmem>>, %arg8: memref<8x128x32xf32, #tpu.memory_space<vmem>>, %arg9: memref<640x32xf32, #tpu.memory_space<vmem>>, %arg10: memref<10240x32xf32, #tpu.memory_space<vmem_shared>>, %arg11: memref<10240x32xf32, #tpu.memory_space<vmem_shared>>, %arg12: memref<8x!tpu.dma_semaphore, #tpu.memory_space<semaphore_mem>>, %arg13: memref<8x!tpu.dma_semaphore, #tpu.memory_space<semaphore_mem>>) attributes {dimension_semantics = [#tpu.dimension_semantics<core_parallel>, #tpu.dimension_semantics<subcore_parallel>], iteration_bounds = array<i64: 2, 16>, scalar_prefetch = 0 : i64, scratch_operands = 8 : i64, tpu.core_type = #tpu.core_type<sc_vector_subcore>, window_params = [{transform_indices = #map}, {transform_indices = #map1}, {transform_indices = #map1}, {transform_indices = #map1}]} {
    %mul3A = arith.constant 2 : i32
    %mul3A_0 = arith.muli %arg1, %mul3A : i32
    %add3A = arith.addi %mul3A_0, %arg0 : i32
    %scan3A = arith.constant 0 : i32
    %scan3A_1 = arith.constant 0 : i32
    %scan3A_2 = arith.constant 640 : i32
    %scan3A_3 = arith.addi %scan3A_1, %scan3A_2 : i32
    %scan3A_4 = arith.constant 1 : i32
    scf.for %scan3A_201 = %scan3A_1 to %scan3A_3 step %scan3A_4  : i32 {
      %broadcast_in_dim3A = arith.constant 0.000000e+00 : f32
      %broadcast_in_dim3A_202 = vector.broadcast %broadcast_in_dim3A : f32 to vector<16xf32>
      %swap3A = arith.index_cast %scan3A_201 : i32 to index
      %swap3A_203 = arith.constant 0 : index
      %swap3A_204 = tpu.vector_load %arg9[%swap3A, %swap3A_203] {strides = array<i32>} : memref<640x32xf32, #tpu.memory_space<vmem>>, vector<16xf32>,
      tpu.vector_store %arg9[%swap3A, %swap3A_203], %broadcast_in_dim3A_202 {strides = array<i32>} : memref<640x32xf32, #tpu.memory_space<vmem>>, vector<16xf32>,
      %broadcast_in_dim3A_205 = arith.constant 0.000000e+00 : f32
      %broadcast_in_dim3A_206 = vector.broadcast %broadcast_in_dim3A_205 : f32 to vector<16xf32>
      %swap3A_207 = arith.index_cast %scan3A_201 : i32 to index
      %swap3A_208 = arith.constant 16 : index
      %swap3A_209 = tpu.vector_load %arg9[%swap3A_207, %swap3A_208] {strides = array<i32>} : memref<640x32xf32, #tpu.memory_space<vmem>>, vector<16xf32>,
      tpu.vector_store %arg9[%swap3A_207, %swap3A_208], %broadcast_in_dim3A_206 {strides = array<i32>} : memref<640x32xf32, #tpu.memory_space<vmem>>, vector<16xf32>,
    }
    %scan3A_5 = arith.constant 640 : i32
    %mul3A_6 = arith.constant 640 : i32
    %mul3A_7 = arith.muli %arg1, %mul3A_6 : i32
    "tpu.region"() ({
      %run_scoped3A = tpu.sem_alloc : memref<!tpu.dma_semaphore, #tpu.memory_space<semaphore_mem>>
      %dma_start3A_201 = arith.constant 0 : i32
      %dma_start3A_202 = tpu.memref_slice %arg11[%mul3A_7, %dma_start3A_201] : memref<10240x32xf32, #tpu.memory_space<vmem_shared>> -> memref<640x32xf32, #tpu.memory_space<vmem_shared>>
      %dma_start3A_203 = arith.constant 0 : i32
      %dma_start3A_204 = tpu.memref_slice %arg11[%mul3A_7, %dma_start3A_203] : memref<10240x32xf32, #tpu.memory_space<vmem_shared>> -> memref<640x32xf32, #tpu.memory_space<vmem_shared>>
      tpu.enqueue_dma source(%arg9 : memref<640x32xf32, #tpu.memory_space<vmem>>) target(%dma_start3A_204 : memref<640x32xf32, #tpu.memory_space<vmem_shared>>) target_semaphore(%run_scoped3A : memref<!tpu.dma_semaphore, #tpu.memory_space<semaphore_mem>>)
      %dma_wait3A_205 = arith.constant 0 : i32
      %dma_wait3A_206 = tpu.memref_slice %arg11[%mul3A_7, %dma_wait3A_205] : memref<10240x32xf32, #tpu.memory_space<vmem_shared>> -> memref<640x32xf32, #tpu.memory_space<vmem_shared>>
      %dma_wait3A_207 = arith.constant 0 : i32
      %dma_wait3A_208 = tpu.memref_slice %arg11[%mul3A_7, %dma_wait3A_207] : memref<10240x32xf32, #tpu.memory_space<vmem_shared>> -> memref<640x32xf32, #tpu.memory_space<vmem_shared>>
      tpu.wait_dma2 semaphore(%run_scoped3A : memref<!tpu.dma_semaphore, #tpu.memory_space<semaphore_mem>>) src(%arg9 : memref<640x32xf32, #tpu.memory_space<vmem>>) dst(%dma_wait3A_208 : memref<640x32xf32, #tpu.memory_space<vmem_shared>>)
      tpu.yield
    }) : () -> ()
    %mul3A_8 = arith.constant 640 : i32
    %mul3A_9 = arith.muli %arg1, %mul3A_8 : i32
    %mul3A_10 = arith.constant 640 : i32
    %mul3A_11 = arith.muli %arg1, %mul3A_10 : i32
    "tpu.region"() ({
      %run_scoped3A = tpu.sem_alloc : memref<!tpu.dma_semaphore, #tpu.memory_space<semaphore_mem>>
      %dma_start3A_201 = arith.constant 0 : i32
      %dma_start3A_202 = tpu.memref_slice %arg10[%mul3A_11, %dma_start3A_201] : memref<10240x32xf32, #tpu.memory_space<vmem_shared>> -> memref<640x32xf32, #tpu.memory_space<vmem_shared>>
      %dma_start3A_203 = arith.constant 0 : i32
      %dma_start3A_204 = tpu.memref_slice %arg2[%mul3A_9, %dma_start3A_203] : memref<10240x32xf32, #tpu.memory_space<hbm>> -> memref<640x32xf32, #tpu.memory_space<hbm>>
      tpu.enqueue_dma source(%dma_start3A_204 : memref<640x32xf32, #tpu.memory_space<hbm>>) target(%dma_start3A_202 : memref<640x32xf32, #tpu.memory_space<vmem_shared>>) target_semaphore(%run_scoped3A : memref<!tpu.dma_semaphore, #tpu.memory_space<semaphore_mem>>)
      %dma_wait3A_205 = arith.constant 0 : i32
      %dma_wait3A_206 = tpu.memref_slice %arg10[%mul3A_11, %dma_wait3A_205] : memref<10240x32xf32, #tpu.memory_space<vmem_shared>> -> memref<640x32xf32, #tpu.memory_space<vmem_shared>>
      %dma_wait3A_207 = arith.constant 0 : i32
      %dma_wait3A_208 = tpu.memref_slice %arg2[%mul3A_9, %dma_wait3A_207] : memref<10240x32xf32, #tpu.memory_space<hbm>> -> memref<640x32xf32, #tpu.memory_space<hbm>>
      tpu.wait_dma2 semaphore(%run_scoped3A : memref<!tpu.dma_semaphore, #tpu.memory_space<semaphore_mem>>) src(%dma_wait3A_208 : memref<640x32xf32, #tpu.memory_space<hbm>>) dst(%dma_wait3A_206 : memref<640x32xf32, #tpu.memory_space<vmem_shared>>)
      tpu.yield
    }) : () -> ()
    "tpu.region"() ({
      %run_scoped3A = tpu.sem_alloc : memref<!tpu.dma_semaphore, #tpu.memory_space<semaphore_mem>>
      %dma_start3A_201 = arith.constant 0 : i32
      %dma_start3A_202 = arith.constant 0 : i32
      %dma_start3A_203 = tpu.memref_slice %arg3[%add3A, %dma_start3A_201, %dma_start3A_202] : memref<32x80x128xi32, #tpu.memory_space<hbm>> -> memref<1x80x128xi32, #tpu.memory_space<hbm>>
      %dma_start3A_204 = tpu.memref_squeeze %dma_start3A_203 : memref<1x80x128xi32, #tpu.memory_space<hbm>> -> memref<80x128xi32, #tpu.memory_space<hbm>>
      %dma_start3A_205 = arith.constant 0 : i32
      %dma_start3A_206 = arith.constant 0 : i32
      %dma_start3A_207 = tpu.memref_slice %arg3[%add3A, %dma_start3A_205, %dma_start3A_206] : memref<32x80x128xi32, #tpu.memory_space<hbm>> -> memref<1x80x128xi32, #tpu.memory_space<hbm>>
      %dma_start3A_208 = tpu.memref_squeeze %dma_start3A_207 : memref<1x80x128xi32, #tpu.memory_space<hbm>> -> memref<80x128xi32, #tpu.memory_space<hbm>>
      tpu.enqueue_dma source(%dma_start3A_208 : memref<80x128xi32, #tpu.memory_space<hbm>>) target(%arg6 : memref<80x128xi32, #tpu.memory_space<vmem>>) target_semaphore(%run_scoped3A : memref<!tpu.dma_semaphore, #tpu.memory_space<semaphore_mem>>)
      %dma_wait3A_209 = arith.constant 0 : i32
      %dma_wait3A_210 = arith.constant 0 : i32
      %dma_wait3A_211 = tpu.memref_slice %arg3[%add3A, %dma_wait3A_209, %dma_wait3A_210] : memref<32x80x128xi32, #tpu.memory_space<hbm>> -> memref<1x80x128xi32, #tpu.memory_space<hbm>>
      %dma_wait3A_212 = tpu.memref_squeeze %dma_wait3A_211 : memref<1x80x128xi32, #tpu.memory_space<hbm>> -> memref<80x128xi32, #tpu.memory_space<hbm>>
      %dma_wait3A_213 = arith.constant 0 : i32
      %dma_wait3A_214 = arith.constant 0 : i32
      %dma_wait3A_215 = tpu.memref_slice %arg3[%add3A, %dma_wait3A_213, %dma_wait3A_214] : memref<32x80x128xi32, #tpu.memory_space<hbm>> -> memref<1x80x128xi32, #tpu.memory_space<hbm>>
      %dma_wait3A_216 = tpu.memref_squeeze %dma_wait3A_215 : memref<1x80x128xi32, #tpu.memory_space<hbm>> -> memref<80x128xi32, #tpu.memory_space<hbm>>
      tpu.wait_dma2 semaphore(%run_scoped3A : memref<!tpu.dma_semaphore, #tpu.memory_space<semaphore_mem>>) src(%dma_wait3A_216 : memref<80x128xi32, #tpu.memory_space<hbm>>) dst(%arg6 : memref<80x128xi32, #tpu.memory_space<vmem>>)
      tpu.yield
    }) : () -> ()
    "tpu.region"() ({
      %run_scoped3A = tpu.sem_alloc : memref<!tpu.dma_semaphore, #tpu.memory_space<semaphore_mem>>
      %dma_start3A_201 = arith.constant 0 : i32
      %dma_start3A_202 = arith.constant 0 : i32
      %dma_start3A_203 = tpu.memref_slice %arg4[%add3A, %dma_start3A_201, %dma_start3A_202] : memref<32x80x128xi32, #tpu.memory_space<hbm>> -> memref<1x80x128xi32, #tpu.memory_space<hbm>>
      %dma_start3A_204 = tpu.memref_squeeze %dma_start3A_203 : memref<1x80x128xi32, #tpu.memory_space<hbm>> -> memref<80x128xi32, #tpu.memory_space<hbm>>
      %dma_start3A_205 = arith.constant 0 : i32
      %dma_start3A_206 = arith.constant 0 : i32
      %dma_start3A_207 = tpu.memref_slice %arg4[%add3A, %dma_start3A_205, %dma_start3A_206] : memref<32x80x128xi32, #tpu.memory_space<hbm>> -> memref<1x80x128xi32, #tpu.memory_space<hbm>>
      %dma_start3A_208 = tpu.memref_squeeze %dma_start3A_207 : memref<1x80x128xi32, #tpu.memory_space<hbm>> -> memref<80x128xi32, #tpu.memory_space<hbm>>
      tpu.enqueue_dma source(%dma_start3A_208 : memref<80x128xi32, #tpu.memory_space<hbm>>) target(%arg7 : memref<80x128xi32, #tpu.memory_space<vmem>>) target_semaphore(%run_scoped3A : memref<!tpu.dma_semaphore, #tpu.memory_space<semaphore_mem>>)
      %dma_wait3A_209 = arith.constant 0 : i32
      %dma_wait3A_210 = arith.constant 0 : i32
      %dma_wait3A_211 = tpu.memref_slice %arg4[%add3A, %dma_wait3A_209, %dma_wait3A_210] : memref<32x80x128xi32, #tpu.memory_space<hbm>> -> memref<1x80x128xi32, #tpu.memory_space<hbm>>
      %dma_wait3A_212 = tpu.memref_squeeze %dma_wait3A_211 : memref<1x80x128xi32, #tpu.memory_space<hbm>> -> memref<80x128xi32, #tpu.memory_space<hbm>>
      %dma_wait3A_213 = arith.constant 0 : i32
      %dma_wait3A_214 = arith.constant 0 : i32
      %dma_wait3A_215 = tpu.memref_slice %arg4[%add3A, %dma_wait3A_213, %dma_wait3A_214] : memref<32x80x128xi32, #tpu.memory_space<hbm>> -> memref<1x80x128xi32, #tpu.memory_space<hbm>>
      %dma_wait3A_216 = tpu.memref_squeeze %dma_wait3A_215 : memref<1x80x128xi32, #tpu.memory_space<hbm>> -> memref<80x128xi32, #tpu.memory_space<hbm>>
      tpu.wait_dma2 semaphore(%run_scoped3A : memref<!tpu.dma_semaphore, #tpu.memory_space<semaphore_mem>>) src(%dma_wait3A_216 : memref<80x128xi32, #tpu.memory_space<hbm>>) dst(%arg7 : memref<80x128xi32, #tpu.memory_space<vmem>>)
      tpu.yield
    }) : () -> ()
    %barrier3A = arith.constant 0 : index
    tpu.barrier barrier_id(%barrier3A)
    %dma_start3A = arith.constant 0 : i32
    %dma_start3A_12 = arith.constant 0 : i32
    %dma_start3A_13 = arith.constant 0 : i32
    %dma_start3A_14 = arith.constant 0 : i32
    %dma_start3A_15 = arith.constant 0 : i32
    %dma_start3A_16 = tpu.memref_slice %arg8[%dma_start3A_12, %dma_start3A_14, %dma_start3A_15] : memref<8x128x32xf32, #tpu.memory_space<vmem>> -> memref<1x128x32xf32, #tpu.memory_space<vmem>>
    %dma_start3A_17 = tpu.memref_squeeze %dma_start3A_16 : memref<1x128x32xf32, #tpu.memory_space<vmem>> -> memref<128x32xf32, #tpu.memory_space<vmem>>
    %dma_start3A_18 = arith.constant 0 : i32
    %dma_start3A_19 = tpu.memref_slice %arg6[%dma_start3A, %dma_start3A_18] : memref<80x128xi32, #tpu.memory_space<vmem>> -> memref<1x128xi32, #tpu.memory_space<vmem>>
    %dma_start3A_20 = tpu.memref_squeeze %dma_start3A_19 : memref<1x128xi32, #tpu.memory_space<vmem>> -> memref<128xi32, #tpu.memory_space<vmem>>
    %dma_start3A_21 = arith.constant 0 : i32
    %dma_start3A_22 = arith.constant 0 : i32
    %dma_start3A_23 = tpu.memref_slice %arg10[%dma_start3A_21, %dma_start3A_22] : memref<10240x32xf32, #tpu.memory_space<vmem_shared>> -> memref<10240x32xf32, #tpu.memory_space<vmem_shared>>
    %dma_start3A_24 = tpu.memref_slice %arg12[%dma_start3A_13] : memref<8x!tpu.dma_semaphore, #tpu.memory_space<semaphore_mem>> -> memref<1x!tpu.dma_semaphore, #tpu.memory_space<semaphore_mem>>
    %dma_start3A_25 = tpu.memref_squeeze %dma_start3A_24 : memref<1x!tpu.dma_semaphore, #tpu.memory_space<semaphore_mem>> -> memref<!tpu.dma_semaphore, #tpu.memory_space<semaphore_mem>>
    tpu.enqueue_indirect_dma source(%dma_start3A_23 : memref<10240x32xf32, #tpu.memory_space<vmem_shared>>) target(%dma_start3A_17 : memref<128x32xf32, #tpu.memory_space<vmem>>) offsets(%dma_start3A_20 : memref<128xi32, #tpu.memory_space<vmem>>) semaphore(%dma_start3A_25 : memref<!tpu.dma_semaphore, #tpu.memory_space<semaphore_mem>>)
    %dma_start3A_26 = arith.constant 1 : i32
    %dma_start3A_27 = arith.constant 1 : i32
    %dma_start3A_28 = arith.constant 1 : i32
    %dma_start3A_29 = arith.constant 0 : i32
    %dma_start3A_30 = arith.constant 0 : i32
    %dma_start3A_31 = tpu.memref_slice %arg8[%dma_start3A_27, %dma_start3A_29, %dma_start3A_30] : memref<8x128x32xf32, #tpu.memory_space<vmem>> -> memref<1x128x32xf32, #tpu.memory_space<vmem>>
    %dma_start3A_32 = tpu.memref_squeeze %dma_start3A_31 : memref<1x128x32xf32, #tpu.memory_space<vmem>> -> memref<128x32xf32, #tpu.memory_space<vmem>>
    %dma_start3A_33 = arith.constant 0 : i32
    %dma_start3A_34 = tpu.memref_slice %arg6[%dma_start3A_26, %dma_start3A_33] : memref<80x128xi32, #tpu.memory_space<vmem>> -> memref<1x128xi32, #tpu.memory_space<vmem>>
    %dma_start3A_35 = tpu.memref_squeeze %dma_start3A_34 : memref<1x128xi32, #tpu.memory_space<vmem>> -> memref<128xi32, #tpu.memory_space<vmem>>
    %dma_start3A_36 = arith.constant 0 : i32
    %dma_start3A_37 = arith.constant 0 : i32
    %dma_start3A_38 = tpu.memref_slice %arg10[%dma_start3A_36, %dma_start3A_37] : memref<10240x32xf32, #tpu.memory_space<vmem_shared>> -> memref<10240x32xf32, #tpu.memory_space<vmem_shared>>
    %dma_start3A_39 = tpu.memref_slice %arg12[%dma_start3A_28] : memref<8x!tpu.dma_semaphore, #tpu.memory_space<semaphore_mem>> -> memref<1x!tpu.dma_semaphore, #tpu.memory_space<semaphore_mem>>
    %dma_start3A_40 = tpu.memref_squeeze %dma_start3A_39 : memref<1x!tpu.dma_semaphore, #tpu.memory_space<semaphore_mem>> -> memref<!tpu.dma_semaphore, #tpu.memory_space<semaphore_mem>>
    tpu.enqueue_indirect_dma source(%dma_start3A_38 : memref<10240x32xf32, #tpu.memory_space<vmem_shared>>) target(%dma_start3A_32 : memref<128x32xf32, #tpu.memory_space<vmem>>) offsets(%dma_start3A_35 : memref<128xi32, #tpu.memory_space<vmem>>) semaphore(%dma_start3A_40 : memref<!tpu.dma_semaphore, #tpu.memory_space<semaphore_mem>>)
    %dma_start3A_41 = arith.constant 2 : i32
    %dma_start3A_42 = arith.constant 2 : i32
    %dma_start3A_43 = arith.constant 2 : i32
    %dma_start3A_44 = arith.constant 0 : i32
    %dma_start3A_45 = arith.constant 0 : i32
    %dma_start3A_46 = tpu.memref_slice %arg8[%dma_start3A_42, %dma_start3A_44, %dma_start3A_45] : memref<8x128x32xf32, #tpu.memory_space<vmem>> -> memref<1x128x32xf32, #tpu.memory_space<vmem>>
    %dma_start3A_47 = tpu.memref_squeeze %dma_start3A_46 : memref<1x128x32xf32, #tpu.memory_space<vmem>> -> memref<128x32xf32, #tpu.memory_space<vmem>>
    %dma_start3A_48 = arith.constant 0 : i32
    %dma_start3A_49 = tpu.memref_slice %arg6[%dma_start3A_41, %dma_start3A_48] : memref<80x128xi32, #tpu.memory_space<vmem>> -> memref<1x128xi32, #tpu.memory_space<vmem>>
    %dma_start3A_50 = tpu.memref_squeeze %dma_start3A_49 : memref<1x128xi32, #tpu.memory_space<vmem>> -> memref<128xi32, #tpu.memory_space<vmem>>
    %dma_start3A_51 = arith.constant 0 : i32
    %dma_start3A_52 = arith.constant 0 : i32
    %dma_start3A_53 = tpu.memref_slice %arg10[%dma_start3A_51, %dma_start3A_52] : memref<10240x32xf32, #tpu.memory_space<vmem_shared>> -> memref<10240x32xf32, #tpu.memory_space<vmem_shared>>
    %dma_start3A_54 = tpu.memref_slice %arg12[%dma_start3A_43] : memref<8x!tpu.dma_semaphore, #tpu.memory_space<semaphore_mem>> -> memref<1x!tpu.dma_semaphore, #tpu.memory_space<semaphore_mem>>
    %dma_start3A_55 = tpu.memref_squeeze %dma_start3A_54 : memref<1x!tpu.dma_semaphore, #tpu.memory_space<semaphore_mem>> -> memref<!tpu.dma_semaphore, #tpu.memory_space<semaphore_mem>>
    tpu.enqueue_indirect_dma source(%dma_start3A_53 : memref<10240x32xf32, #tpu.memory_space<vmem_shared>>) target(%dma_start3A_47 : memref<128x32xf32, #tpu.memory_space<vmem>>) offsets(%dma_start3A_50 : memref<128xi32, #tpu.memory_space<vmem>>) semaphore(%dma_start3A_55 : memref<!tpu.dma_semaphore, #tpu.memory_space<semaphore_mem>>)
    %dma_start3A_56 = arith.constant 3 : i32
    %dma_start3A_57 = arith.constant 3 : i32
    %dma_start3A_58 = arith.constant 3 : i32
    %dma_start3A_59 = arith.constant 0 : i32
    %dma_start3A_60 = arith.constant 0 : i32
    %dma_start3A_61 = tpu.memref_slice %arg8[%dma_start3A_57, %dma_start3A_59, %dma_start3A_60] : memref<8x128x32xf32, #tpu.memory_space<vmem>> -> memref<1x128x32xf32, #tpu.memory_space<vmem>>
    %dma_start3A_62 = tpu.memref_squeeze %dma_start3A_61 : memref<1x128x32xf32, #tpu.memory_space<vmem>> -> memref<128x32xf32, #tpu.memory_space<vmem>>
    %dma_start3A_63 = arith.constant 0 : i32
    %dma_start3A_64 = tpu.memref_slice %arg6[%dma_start3A_56, %dma_start3A_63] : memref<80x128xi32, #tpu.memory_space<vmem>> -> memref<1x128xi32, #tpu.memory_space<vmem>>
    %dma_start3A_65 = tpu.memref_squeeze %dma_start3A_64 : memref<1x128xi32, #tpu.memory_space<vmem>> -> memref<128xi32, #tpu.memory_space<vmem>>
    %dma_start3A_66 = arith.constant 0 : i32
    %dma_start3A_67 = arith.constant 0 : i32
    %dma_start3A_68 = tpu.memref_slice %arg10[%dma_start3A_66, %dma_start3A_67] : memref<10240x32xf32, #tpu.memory_space<vmem_shared>> -> memref<10240x32xf32, #tpu.memory_space<vmem_shared>>
    %dma_start3A_69 = tpu.memref_slice %arg12[%dma_start3A_58] : memref<8x!tpu.dma_semaphore, #tpu.memory_space<semaphore_mem>> -> memref<1x!tpu.dma_semaphore, #tpu.memory_space<semaphore_mem>>
    %dma_start3A_70 = tpu.memref_squeeze %dma_start3A_69 : memref<1x!tpu.dma_semaphore, #tpu.memory_space<semaphore_mem>> -> memref<!tpu.dma_semaphore, #tpu.memory_space<semaphore_mem>>
    tpu.enqueue_indirect_dma source(%dma_start3A_68 : memref<10240x32xf32, #tpu.memory_space<vmem_shared>>) target(%dma_start3A_62 : memref<128x32xf32, #tpu.memory_space<vmem>>) offsets(%dma_start3A_65 : memref<128xi32, #tpu.memory_space<vmem>>) semaphore(%dma_start3A_70 : memref<!tpu.dma_semaphore, #tpu.memory_space<semaphore_mem>>)
    %scan3A_71 = arith.constant 0 : i32
    %scan3A_72 = arith.constant 0 : i32
    %scan3A_73 = arith.constant 10 : i32
    %scan3A_74 = arith.addi %scan3A_72, %scan3A_73 : i32
    %scan3A_75 = arith.constant 1 : i32
    scf.for %scan3A_201 = %scan3A_72 to %scan3A_74 step %scan3A_75  : i32 {
      %mul3A_202 = arith.constant 8 : i32
      %mul3A_203 = arith.muli %scan3A_201, %mul3A_202 : i32
      %add3A_204 = arith.constant 0 : i32
      %add3A_205 = arith.addi %mul3A_203, %add3A_204 : i32
      %dma_wait3A_206 = arith.constant 0 : i32
      %dma_wait3A_207 = arith.constant 0 : i32
      %dma_wait3A_208 = arith.constant 0 : i32
      %dma_wait3A_209 = arith.constant 0 : i32
      %dma_wait3A_210 = tpu.memref_slice %arg8[%dma_wait3A_206, %dma_wait3A_208, %dma_wait3A_209] : memref<8x128x32xf32, #tpu.memory_space<vmem>> -> memref<1x128x32xf32, #tpu.memory_space<vmem>>
      %dma_wait3A_211 = tpu.memref_squeeze %dma_wait3A_210 : memref<1x128x32xf32, #tpu.memory_space<vmem>> -> memref<128x32xf32, #tpu.memory_space<vmem>>
      %dma_wait3A_212 = arith.constant 0 : i32
      %dma_wait3A_213 = tpu.memref_slice %arg6[%add3A_205, %dma_wait3A_212] : memref<80x128xi32, #tpu.memory_space<vmem>> -> memref<1x128xi32, #tpu.memory_space<vmem>>
      %dma_wait3A_214 = tpu.memref_squeeze %dma_wait3A_213 : memref<1x128xi32, #tpu.memory_space<vmem>> -> memref<128xi32, #tpu.memory_space<vmem>>
      %dma_wait3A_215 = arith.constant 0 : i32
      %dma_wait3A_216 = arith.constant 0 : i32
      %dma_wait3A_217 = tpu.memref_slice %arg10[%dma_wait3A_215, %dma_wait3A_216] : memref<10240x32xf32, #tpu.memory_space<vmem_shared>> -> memref<10240x32xf32, #tpu.memory_space<vmem_shared>>
      %dma_wait3A_218 = tpu.memref_slice %arg12[%dma_wait3A_207] : memref<8x!tpu.dma_semaphore, #tpu.memory_space<semaphore_mem>> -> memref<1x!tpu.dma_semaphore, #tpu.memory_space<semaphore_mem>>
      %dma_wait3A_219 = tpu.memref_squeeze %dma_wait3A_218 : memref<1x!tpu.dma_semaphore, #tpu.memory_space<semaphore_mem>> -> memref<!tpu.dma_semaphore, #tpu.memory_space<semaphore_mem>>
      tpu.wait_indirect_dma semaphore(%dma_wait3A_219 : memref<!tpu.dma_semaphore, #tpu.memory_space<semaphore_mem>>) src(%dma_wait3A_217 : memref<10240x32xf32, #tpu.memory_space<vmem_shared>>) dst(%dma_wait3A_211 : memref<128x32xf32, #tpu.memory_space<vmem>>)
      %dma_start3A_220 = arith.constant 0 : i32
      %dma_start3A_221 = arith.constant 0 : i32
      %dma_start3A_222 = arith.constant 0 : i32
      %dma_start3A_223 = arith.constant 0 : i32
      %dma_start3A_224 = tpu.memref_slice %arg8[%dma_start3A_220, %dma_start3A_222, %dma_start3A_223] : memref<8x128x32xf32, #tpu.memory_space<vmem>> -> memref<1x128x32xf32, #tpu.memory_space<vmem>>
      %dma_start3A_225 = tpu.memref_squeeze %dma_start3A_224 : memref<1x128x32xf32, #tpu.memory_space<vmem>> -> memref<128x32xf32, #tpu.memory_space<vmem>>
      %dma_start3A_226 = arith.constant 0 : i32
      %dma_start3A_227 = tpu.memref_slice %arg7[%add3A_205, %dma_start3A_226] : memref<80x128xi32, #tpu.memory_space<vmem>> -> memref<1x128xi32, #tpu.memory_space<vmem>>
      %dma_start3A_228 = tpu.memref_squeeze %dma_start3A_227 : memref<1x128xi32, #tpu.memory_space<vmem>> -> memref<128xi32, #tpu.memory_space<vmem>>
      %dma_start3A_229 = arith.constant 0 : i32
      %dma_start3A_230 = arith.constant 0 : i32
      %dma_start3A_231 = tpu.memref_slice %arg11[%dma_start3A_229, %dma_start3A_230] : memref<10240x32xf32, #tpu.memory_space<vmem_shared>> -> memref<10240x32xf32, #tpu.memory_space<vmem_shared>>
      %dma_start3A_232 = tpu.memref_slice %arg13[%dma_start3A_221] : memref<8x!tpu.dma_semaphore, #tpu.memory_space<semaphore_mem>> -> memref<1x!tpu.dma_semaphore, #tpu.memory_space<semaphore_mem>>
      %dma_start3A_233 = tpu.memref_squeeze %dma_start3A_232 : memref<1x!tpu.dma_semaphore, #tpu.memory_space<semaphore_mem>> -> memref<!tpu.dma_semaphore, #tpu.memory_space<semaphore_mem>>
      tpu.enqueue_indirect_dma source(%dma_start3A_225 : memref<128x32xf32, #tpu.memory_space<vmem>>) target(%dma_start3A_231 : memref<10240x32xf32, #tpu.memory_space<vmem_shared>>) offsets(%dma_start3A_228 : memref<128xi32, #tpu.memory_space<vmem>>) semaphore(%dma_start3A_233 : memref<!tpu.dma_semaphore, #tpu.memory_space<semaphore_mem>>) {add = true}
      %add3A_234 = arith.constant 4 : i32
      %add3A_235 = arith.addi %add3A_205, %add3A_234 : i32
      %ge3A = arith.constant 8 : i32
      %ge3A_236 = arith.cmpi sge, %add3A_235, %ge3A : i32
      %convert_element_type3A = arith.extui %ge3A_236 : i1 to i32
      %cond3A = arith.constant 0 : i32
      %cond3A_237 = arith.cmpi ne, %convert_element_type3A, %cond3A : i32
      scf.if %cond3A_237 {
        %lt3A_536 = arith.constant 80 : i32
        %lt3A_537 = arith.cmpi slt, %add3A_235, %lt3A_536 : i32
        %convert_element_type3A_538 = arith.extui %lt3A_537 : i1 to i32
        %cond3A_539 = arith.constant 0 : i32
        %cond3A_540 = arith.cmpi ne, %convert_element_type3A_538, %cond3A_539 : i32
        scf.if %cond3A_540 {
          %sub3A = arith.constant 8 : i32
          %sub3A_541 = arith.subi %add3A_235, %sub3A : i32
          %dma_wait3A_542 = arith.constant 4 : i32
          %dma_wait3A_543 = arith.constant 4 : i32
          %dma_wait3A_544 = arith.constant 0 : i32
          %dma_wait3A_545 = arith.constant 0 : i32
          %dma_wait3A_546 = tpu.memref_slice %arg8[%dma_wait3A_542, %dma_wait3A_544, %dma_wait3A_545] : memref<8x128x32xf32, #tpu.memory_space<vmem>> -> memref<1x128x32xf32, #tpu.memory_space<vmem>>
          %dma_wait3A_547 = tpu.memref_squeeze %dma_wait3A_546 : memref<1x128x32xf32, #tpu.memory_space<vmem>> -> memref<128x32xf32, #tpu.memory_space<vmem>>
          %dma_wait3A_548 = arith.constant 0 : i32
          %dma_wait3A_549 = tpu.memref_slice %arg7[%sub3A_541, %dma_wait3A_548] : memref<80x128xi32, #tpu.memory_space<vmem>> -> memref<1x128xi32, #tpu.memory_space<vmem>>
          %dma_wait3A_550 = tpu.memref_squeeze %dma_wait3A_549 : memref<1x128xi32, #tpu.memory_space<vmem>> -> memref<128xi32, #tpu.memory_space<vmem>>
          %dma_wait3A_551 = arith.constant 0 : i32
          %dma_wait3A_552 = arith.constant 0 : i32
          %dma_wait3A_553 = tpu.memref_slice %arg11[%dma_wait3A_551, %dma_wait3A_552] : memref<10240x32xf32, #tpu.memory_space<vmem_shared>> -> memref<10240x32xf32, #tpu.memory_space<vmem_shared>>
          %dma_wait3A_554 = tpu.memref_slice %arg13[%dma_wait3A_543] : memref<8x!tpu.dma_semaphore, #tpu.memory_space<semaphore_mem>> -> memref<1x!tpu.dma_semaphore, #tpu.memory_space<semaphore_mem>>
          %dma_wait3A_555 = tpu.memref_squeeze %dma_wait3A_554 : memref<1x!tpu.dma_semaphore, #tpu.memory_space<semaphore_mem>> -> memref<!tpu.dma_semaphore, #tpu.memory_space<semaphore_mem>>
          tpu.wait_indirect_dma semaphore(%dma_wait3A_555 : memref<!tpu.dma_semaphore, #tpu.memory_space<semaphore_mem>>) src(%dma_wait3A_547 : memref<128x32xf32, #tpu.memory_space<vmem>>) dst(%dma_wait3A_553 : memref<10240x32xf32, #tpu.memory_space<vmem_shared>>)
        } else {
        }
      } else {
      }
      %lt3A = arith.constant 80 : i32
      %lt3A_238 = arith.cmpi slt, %add3A_235, %lt3A : i32
      %convert_element_type3A_239 = arith.extui %lt3A_238 : i1 to i32
      %cond3A_240 = arith.constant 0 : i32
      %cond3A_241 = arith.cmpi ne, %convert_element_type3A_239, %cond3A_240 : i32
      scf.if %cond3A_241 {
        %dma_start3A_536 = arith.constant 4 : i32
        %dma_start3A_537 = arith.constant 4 : i32
        %dma_start3A_538 = arith.constant 0 : i32
        %dma_start3A_539 = arith.constant 0 : i32
        %dma_start3A_540 = tpu.memref_slice %arg8[%dma_start3A_536, %dma_start3A_538, %dma_start3A_539] : memref<8x128x32xf32, #tpu.memory_space<vmem>> -> memref<1x128x32xf32, #tpu.memory_space<vmem>>
        %dma_start3A_541 = tpu.memref_squeeze %dma_start3A_540 : memref<1x128x32xf32, #tpu.memory_space<vmem>> -> memref<128x32xf32, #tpu.memory_space<vmem>>
        %dma_start3A_542 = arith.constant 0 : i32
        %dma_start3A_543 = tpu.memref_slice %arg6[%add3A_235, %dma_start3A_542] : memref<80x128xi32, #tpu.memory_space<vmem>> -> memref<1x128xi32, #tpu.memory_space<vmem>>
        %dma_start3A_544 = tpu.memref_squeeze %dma_start3A_543 : memref<1x128xi32, #tpu.memory_space<vmem>> -> memref<128xi32, #tpu.memory_space<vmem>>
        %dma_start3A_545 = arith.constant 0 : i32
        %dma_start3A_546 = arith.constant 0 : i32
        %dma_start3A_547 = tpu.memref_slice %arg10[%dma_start3A_545, %dma_start3A_546] : memref<10240x32xf32, #tpu.memory_space<vmem_shared>> -> memref<10240x32xf32, #tpu.memory_space<vmem_shared>>
        %dma_start3A_548 = tpu.memref_slice %arg12[%dma_start3A_537] : memref<8x!tpu.dma_semaphore, #tpu.memory_space<semaphore_mem>> -> memref<1x!tpu.dma_semaphore, #tpu.memory_space<semaphore_mem>>
        %dma_start3A_549 = tpu.memref_squeeze %dma_start3A_548 : memref<1x!tpu.dma_semaphore, #tpu.memory_space<semaphore_mem>> -> memref<!tpu.dma_semaphore, #tpu.memory_space<semaphore_mem>>
        tpu.enqueue_indirect_dma source(%dma_start3A_547 : memref<10240x32xf32, #tpu.memory_space<vmem_shared>>) target(%dma_start3A_541 : memref<128x32xf32, #tpu.memory_space<vmem>>) offsets(%dma_start3A_544 : memref<128xi32, #tpu.memory_space<vmem>>) semaphore(%dma_start3A_549 : memref<!tpu.dma_semaphore, #tpu.memory_space<semaphore_mem>>)
      } else {
      }
      %add3A_242 = arith.constant 1 : i32
      %add3A_243 = arith.addi %mul3A_203, %add3A_242 : i32
      %dma_wait3A_244 = arith.constant 1 : i32
      %dma_wait3A_245 = arith.constant 1 : i32
      %dma_wait3A_246 = arith.constant 0 : i32
      %dma_wait3A_247 = arith.constant 0 : i32
      %dma_wait3A_248 = tpu.memref_slice %arg8[%dma_wait3A_244, %dma_wait3A_246, %dma_wait3A_247] : memref<8x128x32xf32, #tpu.memory_space<vmem>> -> memref<1x128x32xf32, #tpu.memory_space<vmem>>
      %dma_wait3A_249 = tpu.memref_squeeze %dma_wait3A_248 : memref<1x128x32xf32, #tpu.memory_space<vmem>> -> memref<128x32xf32, #tpu.memory_space<vmem>>
      %dma_wait3A_250 = arith.constant 0 : i32
      %dma_wait3A_251 = tpu.memref_slice %arg6[%add3A_243, %dma_wait3A_250] : memref<80x128xi32, #tpu.memory_space<vmem>> -> memref<1x128xi32, #tpu.memory_space<vmem>>
      %dma_wait3A_252 = tpu.memref_squeeze %dma_wait3A_251 : memref<1x128xi32, #tpu.memory_space<vmem>> -> memref<128xi32, #tpu.memory_space<vmem>>
      %dma_wait3A_253 = arith.constant 0 : i32
      %dma_wait3A_254 = arith.constant 0 : i32
      %dma_wait3A_255 = tpu.memref_slice %arg10[%dma_wait3A_253, %dma_wait3A_254] : memref<10240x32xf32, #tpu.memory_space<vmem_shared>> -> memref<10240x32xf32, #tpu.memory_space<vmem_shared>>
      %dma_wait3A_256 = tpu.memref_slice %arg12[%dma_wait3A_245] : memref<8x!tpu.dma_semaphore, #tpu.memory_space<semaphore_mem>> -> memref<1x!tpu.dma_semaphore, #tpu.memory_space<semaphore_mem>>
      %dma_wait3A_257 = tpu.memref_squeeze %dma_wait3A_256 : memref<1x!tpu.dma_semaphore, #tpu.memory_space<semaphore_mem>> -> memref<!tpu.dma_semaphore, #tpu.memory_space<semaphore_mem>>
      tpu.wait_indirect_dma semaphore(%dma_wait3A_257 : memref<!tpu.dma_semaphore, #tpu.memory_space<semaphore_mem>>) src(%dma_wait3A_255 : memref<10240x32xf32, #tpu.memory_space<vmem_shared>>) dst(%dma_wait3A_249 : memref<128x32xf32, #tpu.memory_space<vmem>>)
      %dma_start3A_258 = arith.constant 1 : i32
      %dma_start3A_259 = arith.constant 1 : i32
      %dma_start3A_260 = arith.constant 0 : i32
      %dma_start3A_261 = arith.constant 0 : i32
      %dma_start3A_262 = tpu.memref_slice %arg8[%dma_start3A_258, %dma_start3A_260, %dma_start3A_261] : memref<8x128x32xf32, #tpu.memory_space<vmem>> -> memref<1x128x32xf32, #tpu.memory_space<vmem>>
      %dma_start3A_263 = tpu.memref_squeeze %dma_start3A_262 : memref<1x128x32xf32, #tpu.memory_space<vmem>> -> memref<128x32xf32, #tpu.memory_space<vmem>>
      %dma_start3A_264 = arith.constant 0 : i32
      %dma_start3A_265 = tpu.memref_slice %arg7[%add3A_243, %dma_start3A_264] : memref<80x128xi32, #tpu.memory_space<vmem>> -> memref<1x128xi32, #tpu.memory_space<vmem>>
      %dma_start3A_266 = tpu.memref_squeeze %dma_start3A_265 : memref<1x128xi32, #tpu.memory_space<vmem>> -> memref<128xi32, #tpu.memory_space<vmem>>
      %dma_start3A_267 = arith.constant 0 : i32
      %dma_start3A_268 = arith.constant 0 : i32
      %dma_start3A_269 = tpu.memref_slice %arg11[%dma_start3A_267, %dma_start3A_268] : memref<10240x32xf32, #tpu.memory_space<vmem_shared>> -> memref<10240x32xf32, #tpu.memory_space<vmem_shared>>
      %dma_start3A_270 = tpu.memref_slice %arg13[%dma_start3A_259] : memref<8x!tpu.dma_semaphore, #tpu.memory_space<semaphore_mem>> -> memref<1x!tpu.dma_semaphore, #tpu.memory_space<semaphore_mem>>
      %dma_start3A_271 = tpu.memref_squeeze %dma_start3A_270 : memref<1x!tpu.dma_semaphore, #tpu.memory_space<semaphore_mem>> -> memref<!tpu.dma_semaphore, #tpu.memory_space<semaphore_mem>>
      tpu.enqueue_indirect_dma source(%dma_start3A_263 : memref<128x32xf32, #tpu.memory_space<vmem>>) target(%dma_start3A_269 : memref<10240x32xf32, #tpu.memory_space<vmem_shared>>) offsets(%dma_start3A_266 : memref<128xi32, #tpu.memory_space<vmem>>) semaphore(%dma_start3A_271 : memref<!tpu.dma_semaphore, #tpu.memory_space<semaphore_mem>>) {add = true}
      %add3A_272 = arith.constant 4 : i32
      %add3A_273 = arith.addi %add3A_243, %add3A_272 : i32
      %ge3A_274 = arith.constant 8 : i32
      %ge3A_275 = arith.cmpi sge, %add3A_273, %ge3A_274 : i32
      %convert_element_type3A_276 = arith.extui %ge3A_275 : i1 to i32
      %cond3A_277 = arith.constant 0 : i32
      %cond3A_278 = arith.cmpi ne, %convert_element_type3A_276, %cond3A_277 : i32
      scf.if %cond3A_278 {
        %lt3A_536 = arith.constant 80 : i32
        %lt3A_537 = arith.cmpi slt, %add3A_273, %lt3A_536 : i32
        %convert_element_type3A_538 = arith.extui %lt3A_537 : i1 to i32
        %cond3A_539 = arith.constant 0 : i32
        %cond3A_540 = arith.cmpi ne, %convert_element_type3A_538, %cond3A_539 : i32
        scf.if %cond3A_540 {
          %sub3A = arith.constant 8 : i32
          %sub3A_541 = arith.subi %add3A_273, %sub3A : i32
          %dma_wait3A_542 = arith.constant 5 : i32
          %dma_wait3A_543 = arith.constant 5 : i32
          %dma_wait3A_544 = arith.constant 0 : i32
          %dma_wait3A_545 = arith.constant 0 : i32
          %dma_wait3A_546 = tpu.memref_slice %arg8[%dma_wait3A_542, %dma_wait3A_544, %dma_wait3A_545] : memref<8x128x32xf32, #tpu.memory_space<vmem>> -> memref<1x128x32xf32, #tpu.memory_space<vmem>>
          %dma_wait3A_547 = tpu.memref_squeeze %dma_wait3A_546 : memref<1x128x32xf32, #tpu.memory_space<vmem>> -> memref<128x32xf32, #tpu.memory_space<vmem>>
          %dma_wait3A_548 = arith.constant 0 : i32
          %dma_wait3A_549 = tpu.memref_slice %arg7[%sub3A_541, %dma_wait3A_548] : memref<80x128xi32, #tpu.memory_space<vmem>> -> memref<1x128xi32, #tpu.memory_space<vmem>>
          %dma_wait3A_550 = tpu.memref_squeeze %dma_wait3A_549 : memref<1x128xi32, #tpu.memory_space<vmem>> -> memref<128xi32, #tpu.memory_space<vmem>>
          %dma_wait3A_551 = arith.constant 0 : i32
          %dma_wait3A_552 = arith.constant 0 : i32
          %dma_wait3A_553 = tpu.memref_slice %arg11[%dma_wait3A_551, %dma_wait3A_552] : memref<10240x32xf32, #tpu.memory_space<vmem_shared>> -> memref<10240x32xf32, #tpu.memory_space<vmem_shared>>
          %dma_wait3A_554 = tpu.memref_slice %arg13[%dma_wait3A_543] : memref<8x!tpu.dma_semaphore, #tpu.memory_space<semaphore_mem>> -> memref<1x!tpu.dma_semaphore, #tpu.memory_space<semaphore_mem>>
          %dma_wait3A_555 = tpu.memref_squeeze %dma_wait3A_554 : memref<1x!tpu.dma_semaphore, #tpu.memory_space<semaphore_mem>> -> memref<!tpu.dma_semaphore, #tpu.memory_space<semaphore_mem>>
          tpu.wait_indirect_dma semaphore(%dma_wait3A_555 : memref<!tpu.dma_semaphore, #tpu.memory_space<semaphore_mem>>) src(%dma_wait3A_547 : memref<128x32xf32, #tpu.memory_space<vmem>>) dst(%dma_wait3A_553 : memref<10240x32xf32, #tpu.memory_space<vmem_shared>>)
        } else {
        }
      } else {
      }
      %lt3A_279 = arith.constant 80 : i32
      %lt3A_280 = arith.cmpi slt, %add3A_273, %lt3A_279 : i32
      %convert_element_type3A_281 = arith.extui %lt3A_280 : i1 to i32
      %cond3A_282 = arith.constant 0 : i32
      %cond3A_283 = arith.cmpi ne, %convert_element_type3A_281, %cond3A_282 : i32
      scf.if %cond3A_283 {
        %dma_start3A_536 = arith.constant 5 : i32
        %dma_start3A_537 = arith.constant 5 : i32
        %dma_start3A_538 = arith.constant 0 : i32
        %dma_start3A_539 = arith.constant 0 : i32
        %dma_start3A_540 = tpu.memref_slice %arg8[%dma_start3A_536, %dma_start3A_538, %dma_start3A_539] : memref<8x128x32xf32, #tpu.memory_space<vmem>> -> memref<1x128x32xf32, #tpu.memory_space<vmem>>
        %dma_start3A_541 = tpu.memref_squeeze %dma_start3A_540 : memref<1x128x32xf32, #tpu.memory_space<vmem>> -> memref<128x32xf32, #tpu.memory_space<vmem>>
        %dma_start3A_542 = arith.constant 0 : i32
        %dma_start3A_543 = tpu.memref_slice %arg6[%add3A_273, %dma_start3A_542] : memref<80x128xi32, #tpu.memory_space<vmem>> -> memref<1x128xi32, #tpu.memory_space<vmem>>
        %dma_start3A_544 = tpu.memref_squeeze %dma_start3A_543 : memref<1x128xi32, #tpu.memory_space<vmem>> -> memref<128xi32, #tpu.memory_space<vmem>>
        %dma_start3A_545 = arith.constant 0 : i32
        %dma_start3A_546 = arith.constant 0 : i32
        %dma_start3A_547 = tpu.memref_slice %arg10[%dma_start3A_545, %dma_start3A_546] : memref<10240x32xf32, #tpu.memory_space<vmem_shared>> -> memref<10240x32xf32, #tpu.memory_space<vmem_shared>>
        %dma_start3A_548 = tpu.memref_slice %arg12[%dma_start3A_537] : memref<8x!tpu.dma_semaphore, #tpu.memory_space<semaphore_mem>> -> memref<1x!tpu.dma_semaphore, #tpu.memory_space<semaphore_mem>>
        %dma_start3A_549 = tpu.memref_squeeze %dma_start3A_548 : memref<1x!tpu.dma_semaphore, #tpu.memory_space<semaphore_mem>> -> memref<!tpu.dma_semaphore, #tpu.memory_space<semaphore_mem>>
        tpu.enqueue_indirect_dma source(%dma_start3A_547 : memref<10240x32xf32, #tpu.memory_space<vmem_shared>>) target(%dma_start3A_541 : memref<128x32xf32, #tpu.memory_space<vmem>>) offsets(%dma_start3A_544 : memref<128xi32, #tpu.memory_space<vmem>>) semaphore(%dma_start3A_549 : memref<!tpu.dma_semaphore, #tpu.memory_space<semaphore_mem>>)
      } else {
      }
      %add3A_284 = arith.constant 2 : i32
      %add3A_285 = arith.addi %mul3A_203, %add3A_284 : i32
      %dma_wait3A_286 = arith.constant 2 : i32
      %dma_wait3A_287 = arith.constant 2 : i32
      %dma_wait3A_288 = arith.constant 0 : i32
      %dma_wait3A_289 = arith.constant 0 : i32
      %dma_wait3A_290 = tpu.memref_slice %arg8[%dma_wait3A_286, %dma_wait3A_288, %dma_wait3A_289] : memref<8x128x32xf32, #tpu.memory_space<vmem>> -> memref<1x128x32xf32, #tpu.memory_space<vmem>>
      %dma_wait3A_291 = tpu.memref_squeeze %dma_wait3A_290 : memref<1x128x32xf32, #tpu.memory_space<vmem>> -> memref<128x32xf32, #tpu.memory_space<vmem>>
      %dma_wait3A_292 = arith.constant 0 : i32
      %dma_wait3A_293 = tpu.memref_slice %arg6[%add3A_285, %dma_wait3A_292] : memref<80x128xi32, #tpu.memory_space<vmem>> -> memref<1x128xi32, #tpu.memory_space<vmem>>
      %dma_wait3A_294 = tpu.memref_squeeze %dma_wait3A_293 : memref<1x128xi32, #tpu.memory_space<vmem>> -> memref<128xi32, #tpu.memory_space<vmem>>
      %dma_wait3A_295 = arith.constant 0 : i32
      %dma_wait3A_296 = arith.constant 0 : i32
      %dma_wait3A_297 = tpu.memref_slice %arg10[%dma_wait3A_295, %dma_wait3A_296] : memref<10240x32xf32, #tpu.memory_space<vmem_shared>> -> memref<10240x32xf32, #tpu.memory_space<vmem_shared>>
      %dma_wait3A_298 = tpu.memref_slice %arg12[%dma_wait3A_287] : memref<8x!tpu.dma_semaphore, #tpu.memory_space<semaphore_mem>> -> memref<1x!tpu.dma_semaphore, #tpu.memory_space<semaphore_mem>>
      %dma_wait3A_299 = tpu.memref_squeeze %dma_wait3A_298 : memref<1x!tpu.dma_semaphore, #tpu.memory_space<semaphore_mem>> -> memref<!tpu.dma_semaphore, #tpu.memory_space<semaphore_mem>>
      tpu.wait_indirect_dma semaphore(%dma_wait3A_299 : memref<!tpu.dma_semaphore, #tpu.memory_space<semaphore_mem>>) src(%dma_wait3A_297 : memref<10240x32xf32, #tpu.memory_space<vmem_shared>>) dst(%dma_wait3A_291 : memref<128x32xf32, #tpu.memory_space<vmem>>)
      %dma_start3A_300 = arith.constant 2 : i32
      %dma_start3A_301 = arith.constant 2 : i32
      %dma_start3A_302 = arith.constant 0 : i32
      %dma_start3A_303 = arith.constant 0 : i32
      %dma_start3A_304 = tpu.memref_slice %arg8[%dma_start3A_300, %dma_start3A_302, %dma_start3A_303] : memref<8x128x32xf32, #tpu.memory_space<vmem>> -> memref<1x128x32xf32, #tpu.memory_space<vmem>>
      %dma_start3A_305 = tpu.memref_squeeze %dma_start3A_304 : memref<1x128x32xf32, #tpu.memory_space<vmem>> -> memref<128x32xf32, #tpu.memory_space<vmem>>
      %dma_start3A_306 = arith.constant 0 : i32
      %dma_start3A_307 = tpu.memref_slice %arg7[%add3A_285, %dma_start3A_306] : memref<80x128xi32, #tpu.memory_space<vmem>> -> memref<1x128xi32, #tpu.memory_space<vmem>>
      %dma_start3A_308 = tpu.memref_squeeze %dma_start3A_307 : memref<1x128xi32, #tpu.memory_space<vmem>> -> memref<128xi32, #tpu.memory_space<vmem>>
      %dma_start3A_309 = arith.constant 0 : i32
      %dma_start3A_310 = arith.constant 0 : i32
      %dma_start3A_311 = tpu.memref_slice %arg11[%dma_start3A_309, %dma_start3A_310] : memref<10240x32xf32, #tpu.memory_space<vmem_shared>> -> memref<10240x32xf32, #tpu.memory_space<vmem_shared>>
      %dma_start3A_312 = tpu.memref_slice %arg13[%dma_start3A_301] : memref<8x!tpu.dma_semaphore, #tpu.memory_space<semaphore_mem>> -> memref<1x!tpu.dma_semaphore, #tpu.memory_space<semaphore_mem>>
      %dma_start3A_313 = tpu.memref_squeeze %dma_start3A_312 : memref<1x!tpu.dma_semaphore, #tpu.memory_space<semaphore_mem>> -> memref<!tpu.dma_semaphore, #tpu.memory_space<semaphore_mem>>
      tpu.enqueue_indirect_dma source(%dma_start3A_305 : memref<128x32xf32, #tpu.memory_space<vmem>>) target(%dma_start3A_311 : memref<10240x32xf32, #tpu.memory_space<vmem_shared>>) offsets(%dma_start3A_308 : memref<128xi32, #tpu.memory_space<vmem>>) semaphore(%dma_start3A_313 : memref<!tpu.dma_semaphore, #tpu.memory_space<semaphore_mem>>) {add = true}
      %add3A_314 = arith.constant 4 : i32
      %add3A_315 = arith.addi %add3A_285, %add3A_314 : i32
      %ge3A_316 = arith.constant 8 : i32
      %ge3A_317 = arith.cmpi sge, %add3A_315, %ge3A_316 : i32
      %convert_element_type3A_318 = arith.extui %ge3A_317 : i1 to i32
      %cond3A_319 = arith.constant 0 : i32
      %cond3A_320 = arith.cmpi ne, %convert_element_type3A_318, %cond3A_319 : i32
      scf.if %cond3A_320 {
        %lt3A_536 = arith.constant 80 : i32
        %lt3A_537 = arith.cmpi slt, %add3A_315, %lt3A_536 : i32
        %convert_element_type3A_538 = arith.extui %lt3A_537 : i1 to i32
        %cond3A_539 = arith.constant 0 : i32
        %cond3A_540 = arith.cmpi ne, %convert_element_type3A_538, %cond3A_539 : i32
        scf.if %cond3A_540 {
          %sub3A = arith.constant 8 : i32
          %sub3A_541 = arith.subi %add3A_315, %sub3A : i32
          %dma_wait3A_542 = arith.constant 6 : i32
          %dma_wait3A_543 = arith.constant 6 : i32
          %dma_wait3A_544 = arith.constant 0 : i32
          %dma_wait3A_545 = arith.constant 0 : i32
          %dma_wait3A_546 = tpu.memref_slice %arg8[%dma_wait3A_542, %dma_wait3A_544, %dma_wait3A_545] : memref<8x128x32xf32, #tpu.memory_space<vmem>> -> memref<1x128x32xf32, #tpu.memory_space<vmem>>
          %dma_wait3A_547 = tpu.memref_squeeze %dma_wait3A_546 : memref<1x128x32xf32, #tpu.memory_space<vmem>> -> memref<128x32xf32, #tpu.memory_space<vmem>>
          %dma_wait3A_548 = arith.constant 0 : i32
          %dma_wait3A_549 = tpu.memref_slice %arg7[%sub3A_541, %dma_wait3A_548] : memref<80x128xi32, #tpu.memory_space<vmem>> -> memref<1x128xi32, #tpu.memory_space<vmem>>
          %dma_wait3A_550 = tpu.memref_squeeze %dma_wait3A_549 : memref<1x128xi32, #tpu.memory_space<vmem>> -> memref<128xi32, #tpu.memory_space<vmem>>
          %dma_wait3A_551 = arith.constant 0 : i32
          %dma_wait3A_552 = arith.constant 0 : i32
          %dma_wait3A_553 = tpu.memref_slice %arg11[%dma_wait3A_551, %dma_wait3A_552] : memref<10240x32xf32, #tpu.memory_space<vmem_shared>> -> memref<10240x32xf32, #tpu.memory_space<vmem_shared>>
          %dma_wait3A_554 = tpu.memref_slice %arg13[%dma_wait3A_543] : memref<8x!tpu.dma_semaphore, #tpu.memory_space<semaphore_mem>> -> memref<1x!tpu.dma_semaphore, #tpu.memory_space<semaphore_mem>>
          %dma_wait3A_555 = tpu.memref_squeeze %dma_wait3A_554 : memref<1x!tpu.dma_semaphore, #tpu.memory_space<semaphore_mem>> -> memref<!tpu.dma_semaphore, #tpu.memory_space<semaphore_mem>>
          tpu.wait_indirect_dma semaphore(%dma_wait3A_555 : memref<!tpu.dma_semaphore, #tpu.memory_space<semaphore_mem>>) src(%dma_wait3A_547 : memref<128x32xf32, #tpu.memory_space<vmem>>) dst(%dma_wait3A_553 : memref<10240x32xf32, #tpu.memory_space<vmem_shared>>)
        } else {
        }
      } else {
      }
      %lt3A_321 = arith.constant 80 : i32
      %lt3A_322 = arith.cmpi slt, %add3A_315, %lt3A_321 : i32
      %convert_element_type3A_323 = arith.extui %lt3A_322 : i1 to i32
      %cond3A_324 = arith.constant 0 : i32
      %cond3A_325 = arith.cmpi ne, %convert_element_type3A_323, %cond3A_324 : i32
      scf.if %cond3A_325 {
        %dma_start3A_536 = arith.constant 6 : i32
        %dma_start3A_537 = arith.constant 6 : i32
        %dma_start3A_538 = arith.constant 0 : i32
        %dma_start3A_539 = arith.constant 0 : i32
        %dma_start3A_540 = tpu.memref_slice %arg8[%dma_start3A_536, %dma_start3A_538, %dma_start3A_539] : memref<8x128x32xf32, #tpu.memory_space<vmem>> -> memref<1x128x32xf32, #tpu.memory_space<vmem>>
        %dma_start3A_541 = tpu.memref_squeeze %dma_start3A_540 : memref<1x128x32xf32, #tpu.memory_space<vmem>> -> memref<128x32xf32, #tpu.memory_space<vmem>>
        %dma_start3A_542 = arith.constant 0 : i32
        %dma_start3A_543 = tpu.memref_slice %arg6[%add3A_315, %dma_start3A_542] : memref<80x128xi32, #tpu.memory_space<vmem>> -> memref<1x128xi32, #tpu.memory_space<vmem>>
        %dma_start3A_544 = tpu.memref_squeeze %dma_start3A_543 : memref<1x128xi32, #tpu.memory_space<vmem>> -> memref<128xi32, #tpu.memory_space<vmem>>
        %dma_start3A_545 = arith.constant 0 : i32
        %dma_start3A_546 = arith.constant 0 : i32
        %dma_start3A_547 = tpu.memref_slice %arg10[%dma_start3A_545, %dma_start3A_546] : memref<10240x32xf32, #tpu.memory_space<vmem_shared>> -> memref<10240x32xf32, #tpu.memory_space<vmem_shared>>
        %dma_start3A_548 = tpu.memref_slice %arg12[%dma_start3A_537] : memref<8x!tpu.dma_semaphore, #tpu.memory_space<semaphore_mem>> -> memref<1x!tpu.dma_semaphore, #tpu.memory_space<semaphore_mem>>
        %dma_start3A_549 = tpu.memref_squeeze %dma_start3A_548 : memref<1x!tpu.dma_semaphore, #tpu.memory_space<semaphore_mem>> -> memref<!tpu.dma_semaphore, #tpu.memory_space<semaphore_mem>>
        tpu.enqueue_indirect_dma source(%dma_start3A_547 : memref<10240x32xf32, #tpu.memory_space<vmem_shared>>) target(%dma_start3A_541 : memref<128x32xf32, #tpu.memory_space<vmem>>) offsets(%dma_start3A_544 : memref<128xi32, #tpu.memory_space<vmem>>) semaphore(%dma_start3A_549 : memref<!tpu.dma_semaphore, #tpu.memory_space<semaphore_mem>>)
      } else {
      }
      %add3A_326 = arith.constant 3 : i32
      %add3A_327 = arith.addi %mul3A_203, %add3A_326 : i32
      %dma_wait3A_328 = arith.constant 3 : i32
      %dma_wait3A_329 = arith.constant 3 : i32
      %dma_wait3A_330 = arith.constant 0 : i32
      %dma_wait3A_331 = arith.constant 0 : i32
      %dma_wait3A_332 = tpu.memref_slice %arg8[%dma_wait3A_328, %dma_wait3A_330, %dma_wait3A_331] : memref<8x128x32xf32, #tpu.memory_space<vmem>> -> memref<1x128x32xf32, #tpu.memory_space<vmem>>
      %dma_wait3A_333 = tpu.memref_squeeze %dma_wait3A_332 : memref<1x128x32xf32, #tpu.memory_space<vmem>> -> memref<128x32xf32, #tpu.memory_space<vmem>>
      %dma_wait3A_334 = arith.constant 0 : i32
      %dma_wait3A_335 = tpu.memref_slice %arg6[%add3A_327, %dma_wait3A_334] : memref<80x128xi32, #tpu.memory_space<vmem>> -> memref<1x128xi32, #tpu.memory_space<vmem>>
      %dma_wait3A_336 = tpu.memref_squeeze %dma_wait3A_335 : memref<1x128xi32, #tpu.memory_space<vmem>> -> memref<128xi32, #tpu.memory_space<vmem>>
      %dma_wait3A_337 = arith.constant 0 : i32
      %dma_wait3A_338 = arith.constant 0 : i32
      %dma_wait3A_339 = tpu.memref_slice %arg10[%dma_wait3A_337, %dma_wait3A_338] : memref<10240x32xf32, #tpu.memory_space<vmem_shared>> -> memref<10240x32xf32, #tpu.memory_space<vmem_shared>>
      %dma_wait3A_340 = tpu.memref_slice %arg12[%dma_wait3A_329] : memref<8x!tpu.dma_semaphore, #tpu.memory_space<semaphore_mem>> -> memref<1x!tpu.dma_semaphore, #tpu.memory_space<semaphore_mem>>
      %dma_wait3A_341 = tpu.memref_squeeze %dma_wait3A_340 : memref<1x!tpu.dma_semaphore, #tpu.memory_space<semaphore_mem>> -> memref<!tpu.dma_semaphore, #tpu.memory_space<semaphore_mem>>
      tpu.wait_indirect_dma semaphore(%dma_wait3A_341 : memref<!tpu.dma_semaphore, #tpu.memory_space<semaphore_mem>>) src(%dma_wait3A_339 : memref<10240x32xf32, #tpu.memory_space<vmem_shared>>) dst(%dma_wait3A_333 : memref<128x32xf32, #tpu.memory_space<vmem>>)
      %dma_start3A_342 = arith.constant 3 : i32
      %dma_start3A_343 = arith.constant 3 : i32
      %dma_start3A_344 = arith.constant 0 : i32
      %dma_start3A_345 = arith.constant 0 : i32
      %dma_start3A_346 = tpu.memref_slice %arg8[%dma_start3A_342, %dma_start3A_344, %dma_start3A_345] : memref<8x128x32xf32, #tpu.memory_space<vmem>> -> memref<1x128x32xf32, #tpu.memory_space<vmem>>
      %dma_start3A_347 = tpu.memref_squeeze %dma_start3A_346 : memref<1x128x32xf32, #tpu.memory_space<vmem>> -> memref<128x32xf32, #tpu.memory_space<vmem>>
      %dma_start3A_348 = arith.constant 0 : i32
      %dma_start3A_349 = tpu.memref_slice %arg7[%add3A_327, %dma_start3A_348] : memref<80x128xi32, #tpu.memory_space<vmem>> -> memref<1x128xi32, #tpu.memory_space<vmem>>
      %dma_start3A_350 = tpu.memref_squeeze %dma_start3A_349 : memref<1x128xi32, #tpu.memory_space<vmem>> -> memref<128xi32, #tpu.memory_space<vmem>>
      %dma_start3A_351 = arith.constant 0 : i32
      %dma_start3A_352 = arith.constant 0 : i32
      %dma_start3A_353 = tpu.memref_slice %arg11[%dma_start3A_351, %dma_start3A_352] : memref<10240x32xf32, #tpu.memory_space<vmem_shared>> -> memref<10240x32xf32, #tpu.memory_space<vmem_shared>>
      %dma_start3A_354 = tpu.memref_slice %arg13[%dma_start3A_343] : memref<8x!tpu.dma_semaphore, #tpu.memory_space<semaphore_mem>> -> memref<1x!tpu.dma_semaphore, #tpu.memory_space<semaphore_mem>>
      %dma_start3A_355 = tpu.memref_squeeze %dma_start3A_354 : memref<1x!tpu.dma_semaphore, #tpu.memory_space<semaphore_mem>> -> memref<!tpu.dma_semaphore, #tpu.memory_space<semaphore_mem>>
      tpu.enqueue_indirect_dma source(%dma_start3A_347 : memref<128x32xf32, #tpu.memory_space<vmem>>) target(%dma_start3A_353 : memref<10240x32xf32, #tpu.memory_space<vmem_shared>>) offsets(%dma_start3A_350 : memref<128xi32, #tpu.memory_space<vmem>>) semaphore(%dma_start3A_355 : memref<!tpu.dma_semaphore, #tpu.memory_space<semaphore_mem>>) {add = true}
      %add3A_356 = arith.constant 4 : i32
      %add3A_357 = arith.addi %add3A_327, %add3A_356 : i32
      %ge3A_358 = arith.constant 8 : i32
      %ge3A_359 = arith.cmpi sge, %add3A_357, %ge3A_358 : i32
      %convert_element_type3A_360 = arith.extui %ge3A_359 : i1 to i32
      %cond3A_361 = arith.constant 0 : i32
      %cond3A_362 = arith.cmpi ne, %convert_element_type3A_360, %cond3A_361 : i32
      scf.if %cond3A_362 {
        %lt3A_536 = arith.constant 80 : i32
        %lt3A_537 = arith.cmpi slt, %add3A_357, %lt3A_536 : i32
        %convert_element_type3A_538 = arith.extui %lt3A_537 : i1 to i32
        %cond3A_539 = arith.constant 0 : i32
        %cond3A_540 = arith.cmpi ne, %convert_element_type3A_538, %cond3A_539 : i32
        scf.if %cond3A_540 {
          %sub3A = arith.constant 8 : i32
          %sub3A_541 = arith.subi %add3A_357, %sub3A : i32
          %dma_wait3A_542 = arith.constant 7 : i32
          %dma_wait3A_543 = arith.constant 7 : i32
          %dma_wait3A_544 = arith.constant 0 : i32
          %dma_wait3A_545 = arith.constant 0 : i32
          %dma_wait3A_546 = tpu.memref_slice %arg8[%dma_wait3A_542, %dma_wait3A_544, %dma_wait3A_545] : memref<8x128x32xf32, #tpu.memory_space<vmem>> -> memref<1x128x32xf32, #tpu.memory_space<vmem>>
          %dma_wait3A_547 = tpu.memref_squeeze %dma_wait3A_546 : memref<1x128x32xf32, #tpu.memory_space<vmem>> -> memref<128x32xf32, #tpu.memory_space<vmem>>
          %dma_wait3A_548 = arith.constant 0 : i32
          %dma_wait3A_549 = tpu.memref_slice %arg7[%sub3A_541, %dma_wait3A_548] : memref<80x128xi32, #tpu.memory_space<vmem>> -> memref<1x128xi32, #tpu.memory_space<vmem>>
          %dma_wait3A_550 = tpu.memref_squeeze %dma_wait3A_549 : memref<1x128xi32, #tpu.memory_space<vmem>> -> memref<128xi32, #tpu.memory_space<vmem>>
          %dma_wait3A_551 = arith.constant 0 : i32
          %dma_wait3A_552 = arith.constant 0 : i32
          %dma_wait3A_553 = tpu.memref_slice %arg11[%dma_wait3A_551, %dma_wait3A_552] : memref<10240x32xf32, #tpu.memory_space<vmem_shared>> -> memref<10240x32xf32, #tpu.memory_space<vmem_shared>>
          %dma_wait3A_554 = tpu.memref_slice %arg13[%dma_wait3A_543] : memref<8x!tpu.dma_semaphore, #tpu.memory_space<semaphore_mem>> -> memref<1x!tpu.dma_semaphore, #tpu.memory_space<semaphore_mem>>
          %dma_wait3A_555 = tpu.memref_squeeze %dma_wait3A_554 : memref<1x!tpu.dma_semaphore, #tpu.memory_space<semaphore_mem>> -> memref<!tpu.dma_semaphore, #tpu.memory_space<semaphore_mem>>
          tpu.wait_indirect_dma semaphore(%dma_wait3A_555 : memref<!tpu.dma_semaphore, #tpu.memory_space<semaphore_mem>>) src(%dma_wait3A_547 : memref<128x32xf32, #tpu.memory_space<vmem>>) dst(%dma_wait3A_553 : memref<10240x32xf32, #tpu.memory_space<vmem_shared>>)
        } else {
        }
      } else {
      }
      %lt3A_363 = arith.constant 80 : i32
      %lt3A_364 = arith.cmpi slt, %add3A_357, %lt3A_363 : i32
      %convert_element_type3A_365 = arith.extui %lt3A_364 : i1 to i32
      %cond3A_366 = arith.constant 0 : i32
      %cond3A_367 = arith.cmpi ne, %convert_element_type3A_365, %cond3A_366 : i32
      scf.if %cond3A_367 {
        %dma_start3A_536 = arith.constant 7 : i32
        %dma_start3A_537 = arith.constant 7 : i32
        %dma_start3A_538 = arith.constant 0 : i32
        %dma_start3A_539 = arith.constant 0 : i32
        %dma_start3A_540 = tpu.memref_slice %arg8[%dma_start3A_536, %dma_start3A_538, %dma_start3A_539] : memref<8x128x32xf32, #tpu.memory_space<vmem>> -> memref<1x128x32xf32, #tpu.memory_space<vmem>>
        %dma_start3A_541 = tpu.memref_squeeze %dma_start3A_540 : memref<1x128x32xf32, #tpu.memory_space<vmem>> -> memref<128x32xf32, #tpu.memory_space<vmem>>
        %dma_start3A_542 = arith.constant 0 : i32
        %dma_start3A_543 = tpu.memref_slice %arg6[%add3A_357, %dma_start3A_542] : memref<80x128xi32, #tpu.memory_space<vmem>> -> memref<1x128xi32, #tpu.memory_space<vmem>>
        %dma_start3A_544 = tpu.memref_squeeze %dma_start3A_543 : memref<1x128xi32, #tpu.memory_space<vmem>> -> memref<128xi32, #tpu.memory_space<vmem>>
        %dma_start3A_545 = arith.constant 0 : i32
        %dma_start3A_546 = arith.constant 0 : i32
        %dma_start3A_547 = tpu.memref_slice %arg10[%dma_start3A_545, %dma_start3A_546] : memref<10240x32xf32, #tpu.memory_space<vmem_shared>> -> memref<10240x32xf32, #tpu.memory_space<vmem_shared>>
        %dma_start3A_548 = tpu.memref_slice %arg12[%dma_start3A_537] : memref<8x!tpu.dma_semaphore, #tpu.memory_space<semaphore_mem>> -> memref<1x!tpu.dma_semaphore, #tpu.memory_space<semaphore_mem>>
        %dma_start3A_549 = tpu.memref_squeeze %dma_start3A_548 : memref<1x!tpu.dma_semaphore, #tpu.memory_space<semaphore_mem>> -> memref<!tpu.dma_semaphore, #tpu.memory_space<semaphore_mem>>
        tpu.enqueue_indirect_dma source(%dma_start3A_547 : memref<10240x32xf32, #tpu.memory_space<vmem_shared>>) target(%dma_start3A_541 : memref<128x32xf32, #tpu.memory_space<vmem>>) offsets(%dma_start3A_544 : memref<128xi32, #tpu.memory_space<vmem>>) semaphore(%dma_start3A_549 : memref<!tpu.dma_semaphore, #tpu.memory_space<semaphore_mem>>)
      } else {
      }
      %add3A_368 = arith.constant 4 : i32
      %add3A_369 = arith.addi %mul3A_203, %add3A_368 : i32
      %dma_wait3A_370 = arith.constant 4 : i32
      %dma_wait3A_371 = arith.constant 4 : i32
      %dma_wait3A_372 = arith.constant 0 : i32
      %dma_wait3A_373 = arith.constant 0 : i32
      %dma_wait3A_374 = tpu.memref_slice %arg8[%dma_wait3A_370, %dma_wait3A_372, %dma_wait3A_373] : memref<8x128x32xf32, #tpu.memory_space<vmem>> -> memref<1x128x32xf32, #tpu.memory_space<vmem>>
      %dma_wait3A_375 = tpu.memref_squeeze %dma_wait3A_374 : memref<1x128x32xf32, #tpu.memory_space<vmem>> -> memref<128x32xf32, #tpu.memory_space<vmem>>
      %dma_wait3A_376 = arith.constant 0 : i32
      %dma_wait3A_377 = tpu.memref_slice %arg6[%add3A_369, %dma_wait3A_376] : memref<80x128xi32, #tpu.memory_space<vmem>> -> memref<1x128xi32, #tpu.memory_space<vmem>>
      %dma_wait3A_378 = tpu.memref_squeeze %dma_wait3A_377 : memref<1x128xi32, #tpu.memory_space<vmem>> -> memref<128xi32, #tpu.memory_space<vmem>>
      %dma_wait3A_379 = arith.constant 0 : i32
      %dma_wait3A_380 = arith.constant 0 : i32
      %dma_wait3A_381 = tpu.memref_slice %arg10[%dma_wait3A_379, %dma_wait3A_380] : memref<10240x32xf32, #tpu.memory_space<vmem_shared>> -> memref<10240x32xf32, #tpu.memory_space<vmem_shared>>
      %dma_wait3A_382 = tpu.memref_slice %arg12[%dma_wait3A_371] : memref<8x!tpu.dma_semaphore, #tpu.memory_space<semaphore_mem>> -> memref<1x!tpu.dma_semaphore, #tpu.memory_space<semaphore_mem>>
      %dma_wait3A_383 = tpu.memref_squeeze %dma_wait3A_382 : memref<1x!tpu.dma_semaphore, #tpu.memory_space<semaphore_mem>> -> memref<!tpu.dma_semaphore, #tpu.memory_space<semaphore_mem>>
      tpu.wait_indirect_dma semaphore(%dma_wait3A_383 : memref<!tpu.dma_semaphore, #tpu.memory_space<semaphore_mem>>) src(%dma_wait3A_381 : memref<10240x32xf32, #tpu.memory_space<vmem_shared>>) dst(%dma_wait3A_375 : memref<128x32xf32, #tpu.memory_space<vmem>>)
      %dma_start3A_384 = arith.constant 4 : i32
      %dma_start3A_385 = arith.constant 4 : i32
      %dma_start3A_386 = arith.constant 0 : i32
      %dma_start3A_387 = arith.constant 0 : i32
      %dma_start3A_388 = tpu.memref_slice %arg8[%dma_start3A_384, %dma_start3A_386, %dma_start3A_387] : memref<8x128x32xf32, #tpu.memory_space<vmem>> -> memref<1x128x32xf32, #tpu.memory_space<vmem>>
      %dma_start3A_389 = tpu.memref_squeeze %dma_start3A_388 : memref<1x128x32xf32, #tpu.memory_space<vmem>> -> memref<128x32xf32, #tpu.memory_space<vmem>>
      %dma_start3A_390 = arith.constant 0 : i32
      %dma_start3A_391 = tpu.memref_slice %arg7[%add3A_369, %dma_start3A_390] : memref<80x128xi32, #tpu.memory_space<vmem>> -> memref<1x128xi32, #tpu.memory_space<vmem>>
      %dma_start3A_392 = tpu.memref_squeeze %dma_start3A_391 : memref<1x128xi32, #tpu.memory_space<vmem>> -> memref<128xi32, #tpu.memory_space<vmem>>
      %dma_start3A_393 = arith.constant 0 : i32
      %dma_start3A_394 = arith.constant 0 : i32
      %dma_start3A_395 = tpu.memref_slice %arg11[%dma_start3A_393, %dma_start3A_394] : memref<10240x32xf32, #tpu.memory_space<vmem_shared>> -> memref<10240x32xf32, #tpu.memory_space<vmem_shared>>
      %dma_start3A_396 = tpu.memref_slice %arg13[%dma_start3A_385] : memref<8x!tpu.dma_semaphore, #tpu.memory_space<semaphore_mem>> -> memref<1x!tpu.dma_semaphore, #tpu.memory_space<semaphore_mem>>
      %dma_start3A_397 = tpu.memref_squeeze %dma_start3A_396 : memref<1x!tpu.dma_semaphore, #tpu.memory_space<semaphore_mem>> -> memref<!tpu.dma_semaphore, #tpu.memory_space<semaphore_mem>>
      tpu.enqueue_indirect_dma source(%dma_start3A_389 : memref<128x32xf32, #tpu.memory_space<vmem>>) target(%dma_start3A_395 : memref<10240x32xf32, #tpu.memory_space<vmem_shared>>) offsets(%dma_start3A_392 : memref<128xi32, #tpu.memory_space<vmem>>) semaphore(%dma_start3A_397 : memref<!tpu.dma_semaphore, #tpu.memory_space<semaphore_mem>>) {add = true}
      %add3A_398 = arith.constant 4 : i32
      %add3A_399 = arith.addi %add3A_369, %add3A_398 : i32
      %ge3A_400 = arith.constant 8 : i32
      %ge3A_401 = arith.cmpi sge, %add3A_399, %ge3A_400 : i32
      %convert_element_type3A_402 = arith.extui %ge3A_401 : i1 to i32
      %cond3A_403 = arith.constant 0 : i32
      %cond3A_404 = arith.cmpi ne, %convert_element_type3A_402, %cond3A_403 : i32
      scf.if %cond3A_404 {
        %lt3A_536 = arith.constant 80 : i32
        %lt3A_537 = arith.cmpi slt, %add3A_399, %lt3A_536 : i32
        %convert_element_type3A_538 = arith.extui %lt3A_537 : i1 to i32
        %cond3A_539 = arith.constant 0 : i32
        %cond3A_540 = arith.cmpi ne, %convert_element_type3A_538, %cond3A_539 : i32
        scf.if %cond3A_540 {
          %sub3A = arith.constant 8 : i32
          %sub3A_541 = arith.subi %add3A_399, %sub3A : i32
          %dma_wait3A_542 = arith.constant 0 : i32
          %dma_wait3A_543 = arith.constant 0 : i32
          %dma_wait3A_544 = arith.constant 0 : i32
          %dma_wait3A_545 = arith.constant 0 : i32
          %dma_wait3A_546 = tpu.memref_slice %arg8[%dma_wait3A_542, %dma_wait3A_544, %dma_wait3A_545] : memref<8x128x32xf32, #tpu.memory_space<vmem>> -> memref<1x128x32xf32, #tpu.memory_space<vmem>>
          %dma_wait3A_547 = tpu.memref_squeeze %dma_wait3A_546 : memref<1x128x32xf32, #tpu.memory_space<vmem>> -> memref<128x32xf32, #tpu.memory_space<vmem>>
          %dma_wait3A_548 = arith.constant 0 : i32
          %dma_wait3A_549 = tpu.memref_slice %arg7[%sub3A_541, %dma_wait3A_548] : memref<80x128xi32, #tpu.memory_space<vmem>> -> memref<1x128xi32, #tpu.memory_space<vmem>>
          %dma_wait3A_550 = tpu.memref_squeeze %dma_wait3A_549 : memref<1x128xi32, #tpu.memory_space<vmem>> -> memref<128xi32, #tpu.memory_space<vmem>>
          %dma_wait3A_551 = arith.constant 0 : i32
          %dma_wait3A_552 = arith.constant 0 : i32
          %dma_wait3A_553 = tpu.memref_slice %arg11[%dma_wait3A_551, %dma_wait3A_552] : memref<10240x32xf32, #tpu.memory_space<vmem_shared>> -> memref<10240x32xf32, #tpu.memory_space<vmem_shared>>
          %dma_wait3A_554 = tpu.memref_slice %arg13[%dma_wait3A_543] : memref<8x!tpu.dma_semaphore, #tpu.memory_space<semaphore_mem>> -> memref<1x!tpu.dma_semaphore, #tpu.memory_space<semaphore_mem>>
          %dma_wait3A_555 = tpu.memref_squeeze %dma_wait3A_554 : memref<1x!tpu.dma_semaphore, #tpu.memory_space<semaphore_mem>> -> memref<!tpu.dma_semaphore, #tpu.memory_space<semaphore_mem>>
          tpu.wait_indirect_dma semaphore(%dma_wait3A_555 : memref<!tpu.dma_semaphore, #tpu.memory_space<semaphore_mem>>) src(%dma_wait3A_547 : memref<128x32xf32, #tpu.memory_space<vmem>>) dst(%dma_wait3A_553 : memref<10240x32xf32, #tpu.memory_space<vmem_shared>>)
        } else {
        }
      } else {
      }
      %lt3A_405 = arith.constant 80 : i32
      %lt3A_406 = arith.cmpi slt, %add3A_399, %lt3A_405 : i32
      %convert_element_type3A_407 = arith.extui %lt3A_406 : i1 to i32
      %cond3A_408 = arith.constant 0 : i32
      %cond3A_409 = arith.cmpi ne, %convert_element_type3A_407, %cond3A_408 : i32
      scf.if %cond3A_409 {
        %dma_start3A_536 = arith.constant 0 : i32
        %dma_start3A_537 = arith.constant 0 : i32
        %dma_start3A_538 = arith.constant 0 : i32
        %dma_start3A_539 = arith.constant 0 : i32
        %dma_start3A_540 = tpu.memref_slice %arg8[%dma_start3A_536, %dma_start3A_538, %dma_start3A_539] : memref<8x128x32xf32, #tpu.memory_space<vmem>> -> memref<1x128x32xf32, #tpu.memory_space<vmem>>
        %dma_start3A_541 = tpu.memref_squeeze %dma_start3A_540 : memref<1x128x32xf32, #tpu.memory_space<vmem>> -> memref<128x32xf32, #tpu.memory_space<vmem>>
        %dma_start3A_542 = arith.constant 0 : i32
        %dma_start3A_543 = tpu.memref_slice %arg6[%add3A_399, %dma_start3A_542] : memref<80x128xi32, #tpu.memory_space<vmem>> -> memref<1x128xi32, #tpu.memory_space<vmem>>
        %dma_start3A_544 = tpu.memref_squeeze %dma_start3A_543 : memref<1x128xi32, #tpu.memory_space<vmem>> -> memref<128xi32, #tpu.memory_space<vmem>>
        %dma_start3A_545 = arith.constant 0 : i32
        %dma_start3A_546 = arith.constant 0 : i32
        %dma_start3A_547 = tpu.memref_slice %arg10[%dma_start3A_545, %dma_start3A_546] : memref<10240x32xf32, #tpu.memory_space<vmem_shared>> -> memref<10240x32xf32, #tpu.memory_space<vmem_shared>>
        %dma_start3A_548 = tpu.memref_slice %arg12[%dma_start3A_537] : memref<8x!tpu.dma_semaphore, #tpu.memory_space<semaphore_mem>> -> memref<1x!tpu.dma_semaphore, #tpu.memory_space<semaphore_mem>>
        %dma_start3A_549 = tpu.memref_squeeze %dma_start3A_548 : memref<1x!tpu.dma_semaphore, #tpu.memory_space<semaphore_mem>> -> memref<!tpu.dma_semaphore, #tpu.memory_space<semaphore_mem>>
        tpu.enqueue_indirect_dma source(%dma_start3A_547 : memref<10240x32xf32, #tpu.memory_space<vmem_shared>>) target(%dma_start3A_541 : memref<128x32xf32, #tpu.memory_space<vmem>>) offsets(%dma_start3A_544 : memref<128xi32, #tpu.memory_space<vmem>>) semaphore(%dma_start3A_549 : memref<!tpu.dma_semaphore, #tpu.memory_space<semaphore_mem>>)
      } else {
      }
      %add3A_410 = arith.constant 5 : i32
      %add3A_411 = arith.addi %mul3A_203, %add3A_410 : i32
      %dma_wait3A_412 = arith.constant 5 : i32
      %dma_wait3A_413 = arith.constant 5 : i32
      %dma_wait3A_414 = arith.constant 0 : i32
      %dma_wait3A_415 = arith.constant 0 : i32
      %dma_wait3A_416 = tpu.memref_slice %arg8[%dma_wait3A_412, %dma_wait3A_414, %dma_wait3A_415] : memref<8x128x32xf32, #tpu.memory_space<vmem>> -> memref<1x128x32xf32, #tpu.memory_space<vmem>>
      %dma_wait3A_417 = tpu.memref_squeeze %dma_wait3A_416 : memref<1x128x32xf32, #tpu.memory_space<vmem>> -> memref<128x32xf32, #tpu.memory_space<vmem>>
      %dma_wait3A_418 = arith.constant 0 : i32
      %dma_wait3A_419 = tpu.memref_slice %arg6[%add3A_411, %dma_wait3A_418] : memref<80x128xi32, #tpu.memory_space<vmem>> -> memref<1x128xi32, #tpu.memory_space<vmem>>
      %dma_wait3A_420 = tpu.memref_squeeze %dma_wait3A_419 : memref<1x128xi32, #tpu.memory_space<vmem>> -> memref<128xi32, #tpu.memory_space<vmem>>
      %dma_wait3A_421 = arith.constant 0 : i32
      %dma_wait3A_422 = arith.constant 0 : i32
      %dma_wait3A_423 = tpu.memref_slice %arg10[%dma_wait3A_421, %dma_wait3A_422] : memref<10240x32xf32, #tpu.memory_space<vmem_shared>> -> memref<10240x32xf32, #tpu.memory_space<vmem_shared>>
      %dma_wait3A_424 = tpu.memref_slice %arg12[%dma_wait3A_413] : memref<8x!tpu.dma_semaphore, #tpu.memory_space<semaphore_mem>> -> memref<1x!tpu.dma_semaphore, #tpu.memory_space<semaphore_mem>>
      %dma_wait3A_425 = tpu.memref_squeeze %dma_wait3A_424 : memref<1x!tpu.dma_semaphore, #tpu.memory_space<semaphore_mem>> -> memref<!tpu.dma_semaphore, #tpu.memory_space<semaphore_mem>>
      tpu.wait_indirect_dma semaphore(%dma_wait3A_425 : memref<!tpu.dma_semaphore, #tpu.memory_space<semaphore_mem>>) src(%dma_wait3A_423 : memref<10240x32xf32, #tpu.memory_space<vmem_shared>>) dst(%dma_wait3A_417 : memref<128x32xf32, #tpu.memory_space<vmem>>)
      %dma_start3A_426 = arith.constant 5 : i32
      %dma_start3A_427 = arith.constant 5 : i32
      %dma_start3A_428 = arith.constant 0 : i32
      %dma_start3A_429 = arith.constant 0 : i32
      %dma_start3A_430 = tpu.memref_slice %arg8[%dma_start3A_426, %dma_start3A_428, %dma_start3A_429] : memref<8x128x32xf32, #tpu.memory_space<vmem>> -> memref<1x128x32xf32, #tpu.memory_space<vmem>>
      %dma_start3A_431 = tpu.memref_squeeze %dma_start3A_430 : memref<1x128x32xf32, #tpu.memory_space<vmem>> -> memref<128x32xf32, #tpu.memory_space<vmem>>
      %dma_start3A_432 = arith.constant 0 : i32
      %dma_start3A_433 = tpu.memref_slice %arg7[%add3A_411, %dma_start3A_432] : memref<80x128xi32, #tpu.memory_space<vmem>> -> memref<1x128xi32, #tpu.memory_space<vmem>>
      %dma_start3A_434 = tpu.memref_squeeze %dma_start3A_433 : memref<1x128xi32, #tpu.memory_space<vmem>> -> memref<128xi32, #tpu.memory_space<vmem>>
      %dma_start3A_435 = arith.constant 0 : i32
      %dma_start3A_436 = arith.constant 0 : i32
      %dma_start3A_437 = tpu.memref_slice %arg11[%dma_start3A_435, %dma_start3A_436] : memref<10240x32xf32, #tpu.memory_space<vmem_shared>> -> memref<10240x32xf32, #tpu.memory_space<vmem_shared>>
      %dma_start3A_438 = tpu.memref_slice %arg13[%dma_start3A_427] : memref<8x!tpu.dma_semaphore, #tpu.memory_space<semaphore_mem>> -> memref<1x!tpu.dma_semaphore, #tpu.memory_space<semaphore_mem>>
      %dma_start3A_439 = tpu.memref_squeeze %dma_start3A_438 : memref<1x!tpu.dma_semaphore, #tpu.memory_space<semaphore_mem>> -> memref<!tpu.dma_semaphore, #tpu.memory_space<semaphore_mem>>
      tpu.enqueue_indirect_dma source(%dma_start3A_431 : memref<128x32xf32, #tpu.memory_space<vmem>>) target(%dma_start3A_437 : memref<10240x32xf32, #tpu.memory_space<vmem_shared>>) offsets(%dma_start3A_434 : memref<128xi32, #tpu.memory_space<vmem>>) semaphore(%dma_start3A_439 : memref<!tpu.dma_semaphore, #tpu.memory_space<semaphore_mem>>) {add = true}
      %add3A_440 = arith.constant 4 : i32
      %add3A_441 = arith.addi %add3A_411, %add3A_440 : i32
      %ge3A_442 = arith.constant 8 : i32
      %ge3A_443 = arith.cmpi sge, %add3A_441, %ge3A_442 : i32
      %convert_element_type3A_444 = arith.extui %ge3A_443 : i1 to i32
      %cond3A_445 = arith.constant 0 : i32
      %cond3A_446 = arith.cmpi ne, %convert_element_type3A_444, %cond3A_445 : i32
      scf.if %cond3A_446 {
        %lt3A_536 = arith.constant 80 : i32
        %lt3A_537 = arith.cmpi slt, %add3A_441, %lt3A_536 : i32
        %convert_element_type3A_538 = arith.extui %lt3A_537 : i1 to i32
        %cond3A_539 = arith.constant 0 : i32
        %cond3A_540 = arith.cmpi ne, %convert_element_type3A_538, %cond3A_539 : i32
        scf.if %cond3A_540 {
          %sub3A = arith.constant 8 : i32
          %sub3A_541 = arith.subi %add3A_441, %sub3A : i32
          %dma_wait3A_542 = arith.constant 1 : i32
          %dma_wait3A_543 = arith.constant 1 : i32
          %dma_wait3A_544 = arith.constant 0 : i32
          %dma_wait3A_545 = arith.constant 0 : i32
          %dma_wait3A_546 = tpu.memref_slice %arg8[%dma_wait3A_542, %dma_wait3A_544, %dma_wait3A_545] : memref<8x128x32xf32, #tpu.memory_space<vmem>> -> memref<1x128x32xf32, #tpu.memory_space<vmem>>
          %dma_wait3A_547 = tpu.memref_squeeze %dma_wait3A_546 : memref<1x128x32xf32, #tpu.memory_space<vmem>> -> memref<128x32xf32, #tpu.memory_space<vmem>>
          %dma_wait3A_548 = arith.constant 0 : i32
          %dma_wait3A_549 = tpu.memref_slice %arg7[%sub3A_541, %dma_wait3A_548] : memref<80x128xi32, #tpu.memory_space<vmem>> -> memref<1x128xi32, #tpu.memory_space<vmem>>
          %dma_wait3A_550 = tpu.memref_squeeze %dma_wait3A_549 : memref<1x128xi32, #tpu.memory_space<vmem>> -> memref<128xi32, #tpu.memory_space<vmem>>
          %dma_wait3A_551 = arith.constant 0 : i32
          %dma_wait3A_552 = arith.constant 0 : i32
          %dma_wait3A_553 = tpu.memref_slice %arg11[%dma_wait3A_551, %dma_wait3A_552] : memref<10240x32xf32, #tpu.memory_space<vmem_shared>> -> memref<10240x32xf32, #tpu.memory_space<vmem_shared>>
          %dma_wait3A_554 = tpu.memref_slice %arg13[%dma_wait3A_543] : memref<8x!tpu.dma_semaphore, #tpu.memory_space<semaphore_mem>> -> memref<1x!tpu.dma_semaphore, #tpu.memory_space<semaphore_mem>>
          %dma_wait3A_555 = tpu.memref_squeeze %dma_wait3A_554 : memref<1x!tpu.dma_semaphore, #tpu.memory_space<semaphore_mem>> -> memref<!tpu.dma_semaphore, #tpu.memory_space<semaphore_mem>>
          tpu.wait_indirect_dma semaphore(%dma_wait3A_555 : memref<!tpu.dma_semaphore, #tpu.memory_space<semaphore_mem>>) src(%dma_wait3A_547 : memref<128x32xf32, #tpu.memory_space<vmem>>) dst(%dma_wait3A_553 : memref<10240x32xf32, #tpu.memory_space<vmem_shared>>)
        } else {
        }
      } else {
      }
      %lt3A_447 = arith.constant 80 : i32
      %lt3A_448 = arith.cmpi slt, %add3A_441, %lt3A_447 : i32
      %convert_element_type3A_449 = arith.extui %lt3A_448 : i1 to i32
      %cond3A_450 = arith.constant 0 : i32
      %cond3A_451 = arith.cmpi ne, %convert_element_type3A_449, %cond3A_450 : i32
      scf.if %cond3A_451 {
        %dma_start3A_536 = arith.constant 1 : i32
        %dma_start3A_537 = arith.constant 1 : i32
        %dma_start3A_538 = arith.constant 0 : i32
        %dma_start3A_539 = arith.constant 0 : i32
        %dma_start3A_540 = tpu.memref_slice %arg8[%dma_start3A_536, %dma_start3A_538, %dma_start3A_539] : memref<8x128x32xf32, #tpu.memory_space<vmem>> -> memref<1x128x32xf32, #tpu.memory_space<vmem>>
        %dma_start3A_541 = tpu.memref_squeeze %dma_start3A_540 : memref<1x128x32xf32, #tpu.memory_space<vmem>> -> memref<128x32xf32, #tpu.memory_space<vmem>>
        %dma_start3A_542 = arith.constant 0 : i32
        %dma_start3A_543 = tpu.memref_slice %arg6[%add3A_441, %dma_start3A_542] : memref<80x128xi32, #tpu.memory_space<vmem>> -> memref<1x128xi32, #tpu.memory_space<vmem>>
        %dma_start3A_544 = tpu.memref_squeeze %dma_start3A_543 : memref<1x128xi32, #tpu.memory_space<vmem>> -> memref<128xi32, #tpu.memory_space<vmem>>
        %dma_start3A_545 = arith.constant 0 : i32
        %dma_start3A_546 = arith.constant 0 : i32
        %dma_start3A_547 = tpu.memref_slice %arg10[%dma_start3A_545, %dma_start3A_546] : memref<10240x32xf32, #tpu.memory_space<vmem_shared>> -> memref<10240x32xf32, #tpu.memory_space<vmem_shared>>
        %dma_start3A_548 = tpu.memref_slice %arg12[%dma_start3A_537] : memref<8x!tpu.dma_semaphore, #tpu.memory_space<semaphore_mem>> -> memref<1x!tpu.dma_semaphore, #tpu.memory_space<semaphore_mem>>
        %dma_start3A_549 = tpu.memref_squeeze %dma_start3A_548 : memref<1x!tpu.dma_semaphore, #tpu.memory_space<semaphore_mem>> -> memref<!tpu.dma_semaphore, #tpu.memory_space<semaphore_mem>>
        tpu.enqueue_indirect_dma source(%dma_start3A_547 : memref<10240x32xf32, #tpu.memory_space<vmem_shared>>) target(%dma_start3A_541 : memref<128x32xf32, #tpu.memory_space<vmem>>) offsets(%dma_start3A_544 : memref<128xi32, #tpu.memory_space<vmem>>) semaphore(%dma_start3A_549 : memref<!tpu.dma_semaphore, #tpu.memory_space<semaphore_mem>>)
      } else {
      }
      %add3A_452 = arith.constant 6 : i32
      %add3A_453 = arith.addi %mul3A_203, %add3A_452 : i32
      %dma_wait3A_454 = arith.constant 6 : i32
      %dma_wait3A_455 = arith.constant 6 : i32
      %dma_wait3A_456 = arith.constant 0 : i32
      %dma_wait3A_457 = arith.constant 0 : i32
      %dma_wait3A_458 = tpu.memref_slice %arg8[%dma_wait3A_454, %dma_wait3A_456, %dma_wait3A_457] : memref<8x128x32xf32, #tpu.memory_space<vmem>> -> memref<1x128x32xf32, #tpu.memory_space<vmem>>
      %dma_wait3A_459 = tpu.memref_squeeze %dma_wait3A_458 : memref<1x128x32xf32, #tpu.memory_space<vmem>> -> memref<128x32xf32, #tpu.memory_space<vmem>>
      %dma_wait3A_460 = arith.constant 0 : i32
      %dma_wait3A_461 = tpu.memref_slice %arg6[%add3A_453, %dma_wait3A_460] : memref<80x128xi32, #tpu.memory_space<vmem>> -> memref<1x128xi32, #tpu.memory_space<vmem>>
      %dma_wait3A_462 = tpu.memref_squeeze %dma_wait3A_461 : memref<1x128xi32, #tpu.memory_space<vmem>> -> memref<128xi32, #tpu.memory_space<vmem>>
      %dma_wait3A_463 = arith.constant 0 : i32
      %dma_wait3A_464 = arith.constant 0 : i32
      %dma_wait3A_465 = tpu.memref_slice %arg10[%dma_wait3A_463, %dma_wait3A_464] : memref<10240x32xf32, #tpu.memory_space<vmem_shared>> -> memref<10240x32xf32, #tpu.memory_space<vmem_shared>>
      %dma_wait3A_466 = tpu.memref_slice %arg12[%dma_wait3A_455] : memref<8x!tpu.dma_semaphore, #tpu.memory_space<semaphore_mem>> -> memref<1x!tpu.dma_semaphore, #tpu.memory_space<semaphore_mem>>
      %dma_wait3A_467 = tpu.memref_squeeze %dma_wait3A_466 : memref<1x!tpu.dma_semaphore, #tpu.memory_space<semaphore_mem>> -> memref<!tpu.dma_semaphore, #tpu.memory_space<semaphore_mem>>
      tpu.wait_indirect_dma semaphore(%dma_wait3A_467 : memref<!tpu.dma_semaphore, #tpu.memory_space<semaphore_mem>>) src(%dma_wait3A_465 : memref<10240x32xf32, #tpu.memory_space<vmem_shared>>) dst(%dma_wait3A_459 : memref<128x32xf32, #tpu.memory_space<vmem>>)
      %dma_start3A_468 = arith.constant 6 : i32
      %dma_start3A_469 = arith.constant 6 : i32
      %dma_start3A_470 = arith.constant 0 : i32
      %dma_start3A_471 = arith.constant 0 : i32
      %dma_start3A_472 = tpu.memref_slice %arg8[%dma_start3A_468, %dma_start3A_470, %dma_start3A_471] : memref<8x128x32xf32, #tpu.memory_space<vmem>> -> memref<1x128x32xf32, #tpu.memory_space<vmem>>
      %dma_start3A_473 = tpu.memref_squeeze %dma_start3A_472 : memref<1x128x32xf32, #tpu.memory_space<vmem>> -> memref<128x32xf32, #tpu.memory_space<vmem>>
      %dma_start3A_474 = arith.constant 0 : i32
      %dma_start3A_475 = tpu.memref_slice %arg7[%add3A_453, %dma_start3A_474] : memref<80x128xi32, #tpu.memory_space<vmem>> -> memref<1x128xi32, #tpu.memory_space<vmem>>
      %dma_start3A_476 = tpu.memref_squeeze %dma_start3A_475 : memref<1x128xi32, #tpu.memory_space<vmem>> -> memref<128xi32, #tpu.memory_space<vmem>>
      %dma_start3A_477 = arith.constant 0 : i32
      %dma_start3A_478 = arith.constant 0 : i32
      %dma_start3A_479 = tpu.memref_slice %arg11[%dma_start3A_477, %dma_start3A_478] : memref<10240x32xf32, #tpu.memory_space<vmem_shared>> -> memref<10240x32xf32, #tpu.memory_space<vmem_shared>>
      %dma_start3A_480 = tpu.memref_slice %arg13[%dma_start3A_469] : memref<8x!tpu.dma_semaphore, #tpu.memory_space<semaphore_mem>> -> memref<1x!tpu.dma_semaphore, #tpu.memory_space<semaphore_mem>>
      %dma_start3A_481 = tpu.memref_squeeze %dma_start3A_480 : memref<1x!tpu.dma_semaphore, #tpu.memory_space<semaphore_mem>> -> memref<!tpu.dma_semaphore, #tpu.memory_space<semaphore_mem>>
      tpu.enqueue_indirect_dma source(%dma_start3A_473 : memref<128x32xf32, #tpu.memory_space<vmem>>) target(%dma_start3A_479 : memref<10240x32xf32, #tpu.memory_space<vmem_shared>>) offsets(%dma_start3A_476 : memref<128xi32, #tpu.memory_space<vmem>>) semaphore(%dma_start3A_481 : memref<!tpu.dma_semaphore, #tpu.memory_space<semaphore_mem>>) {add = true}
      %add3A_482 = arith.constant 4 : i32
      %add3A_483 = arith.addi %add3A_453, %add3A_482 : i32
      %ge3A_484 = arith.constant 8 : i32
      %ge3A_485 = arith.cmpi sge, %add3A_483, %ge3A_484 : i32
      %convert_element_type3A_486 = arith.extui %ge3A_485 : i1 to i32
      %cond3A_487 = arith.constant 0 : i32
      %cond3A_488 = arith.cmpi ne, %convert_element_type3A_486, %cond3A_487 : i32
      scf.if %cond3A_488 {
        %lt3A_536 = arith.constant 80 : i32
        %lt3A_537 = arith.cmpi slt, %add3A_483, %lt3A_536 : i32
        %convert_element_type3A_538 = arith.extui %lt3A_537 : i1 to i32
        %cond3A_539 = arith.constant 0 : i32
        %cond3A_540 = arith.cmpi ne, %convert_element_type3A_538, %cond3A_539 : i32
        scf.if %cond3A_540 {
          %sub3A = arith.constant 8 : i32
          %sub3A_541 = arith.subi %add3A_483, %sub3A : i32
          %dma_wait3A_542 = arith.constant 2 : i32
          %dma_wait3A_543 = arith.constant 2 : i32
          %dma_wait3A_544 = arith.constant 0 : i32
          %dma_wait3A_545 = arith.constant 0 : i32
          %dma_wait3A_546 = tpu.memref_slice %arg8[%dma_wait3A_542, %dma_wait3A_544, %dma_wait3A_545] : memref<8x128x32xf32, #tpu.memory_space<vmem>> -> memref<1x128x32xf32, #tpu.memory_space<vmem>>
          %dma_wait3A_547 = tpu.memref_squeeze %dma_wait3A_546 : memref<1x128x32xf32, #tpu.memory_space<vmem>> -> memref<128x32xf32, #tpu.memory_space<vmem>>
          %dma_wait3A_548 = arith.constant 0 : i32
          %dma_wait3A_549 = tpu.memref_slice %arg7[%sub3A_541, %dma_wait3A_548] : memref<80x128xi32, #tpu.memory_space<vmem>> -> memref<1x128xi32, #tpu.memory_space<vmem>>
          %dma_wait3A_550 = tpu.memref_squeeze %dma_wait3A_549 : memref<1x128xi32, #tpu.memory_space<vmem>> -> memref<128xi32, #tpu.memory_space<vmem>>
          %dma_wait3A_551 = arith.constant 0 : i32
          %dma_wait3A_552 = arith.constant 0 : i32
          %dma_wait3A_553 = tpu.memref_slice %arg11[%dma_wait3A_551, %dma_wait3A_552] : memref<10240x32xf32, #tpu.memory_space<vmem_shared>> -> memref<10240x32xf32, #tpu.memory_space<vmem_shared>>
          %dma_wait3A_554 = tpu.memref_slice %arg13[%dma_wait3A_543] : memref<8x!tpu.dma_semaphore, #tpu.memory_space<semaphore_mem>> -> memref<1x!tpu.dma_semaphore, #tpu.memory_space<semaphore_mem>>
          %dma_wait3A_555 = tpu.memref_squeeze %dma_wait3A_554 : memref<1x!tpu.dma_semaphore, #tpu.memory_space<semaphore_mem>> -> memref<!tpu.dma_semaphore, #tpu.memory_space<semaphore_mem>>
          tpu.wait_indirect_dma semaphore(%dma_wait3A_555 : memref<!tpu.dma_semaphore, #tpu.memory_space<semaphore_mem>>) src(%dma_wait3A_547 : memref<128x32xf32, #tpu.memory_space<vmem>>) dst(%dma_wait3A_553 : memref<10240x32xf32, #tpu.memory_space<vmem_shared>>)
        } else {
        }
      } else {
      }
      %lt3A_489 = arith.constant 80 : i32
      %lt3A_490 = arith.cmpi slt, %add3A_483, %lt3A_489 : i32
      %convert_element_type3A_491 = arith.extui %lt3A_490 : i1 to i32
      %cond3A_492 = arith.constant 0 : i32
      %cond3A_493 = arith.cmpi ne, %convert_element_type3A_491, %cond3A_492 : i32
      scf.if %cond3A_493 {
        %dma_start3A_536 = arith.constant 2 : i32
        %dma_start3A_537 = arith.constant 2 : i32
        %dma_start3A_538 = arith.constant 0 : i32
        %dma_start3A_539 = arith.constant 0 : i32
        %dma_start3A_540 = tpu.memref_slice %arg8[%dma_start3A_536, %dma_start3A_538, %dma_start3A_539] : memref<8x128x32xf32, #tpu.memory_space<vmem>> -> memref<1x128x32xf32, #tpu.memory_space<vmem>>
        %dma_start3A_541 = tpu.memref_squeeze %dma_start3A_540 : memref<1x128x32xf32, #tpu.memory_space<vmem>> -> memref<128x32xf32, #tpu.memory_space<vmem>>
        %dma_start3A_542 = arith.constant 0 : i32
        %dma_start3A_543 = tpu.memref_slice %arg6[%add3A_483, %dma_start3A_542] : memref<80x128xi32, #tpu.memory_space<vmem>> -> memref<1x128xi32, #tpu.memory_space<vmem>>
        %dma_start3A_544 = tpu.memref_squeeze %dma_start3A_543 : memref<1x128xi32, #tpu.memory_space<vmem>> -> memref<128xi32, #tpu.memory_space<vmem>>
        %dma_start3A_545 = arith.constant 0 : i32
        %dma_start3A_546 = arith.constant 0 : i32
        %dma_start3A_547 = tpu.memref_slice %arg10[%dma_start3A_545, %dma_start3A_546] : memref<10240x32xf32, #tpu.memory_space<vmem_shared>> -> memref<10240x32xf32, #tpu.memory_space<vmem_shared>>
        %dma_start3A_548 = tpu.memref_slice %arg12[%dma_start3A_537] : memref<8x!tpu.dma_semaphore, #tpu.memory_space<semaphore_mem>> -> memref<1x!tpu.dma_semaphore, #tpu.memory_space<semaphore_mem>>
        %dma_start3A_549 = tpu.memref_squeeze %dma_start3A_548 : memref<1x!tpu.dma_semaphore, #tpu.memory_space<semaphore_mem>> -> memref<!tpu.dma_semaphore, #tpu.memory_space<semaphore_mem>>
        tpu.enqueue_indirect_dma source(%dma_start3A_547 : memref<10240x32xf32, #tpu.memory_space<vmem_shared>>) target(%dma_start3A_541 : memref<128x32xf32, #tpu.memory_space<vmem>>) offsets(%dma_start3A_544 : memref<128xi32, #tpu.memory_space<vmem>>) semaphore(%dma_start3A_549 : memref<!tpu.dma_semaphore, #tpu.memory_space<semaphore_mem>>)
      } else {
      }
      %add3A_494 = arith.constant 7 : i32
      %add3A_495 = arith.addi %mul3A_203, %add3A_494 : i32
      %dma_wait3A_496 = arith.constant 7 : i32
      %dma_wait3A_497 = arith.constant 7 : i32
      %dma_wait3A_498 = arith.constant 0 : i32
      %dma_wait3A_499 = arith.constant 0 : i32
      %dma_wait3A_500 = tpu.memref_slice %arg8[%dma_wait3A_496, %dma_wait3A_498, %dma_wait3A_499] : memref<8x128x32xf32, #tpu.memory_space<vmem>> -> memref<1x128x32xf32, #tpu.memory_space<vmem>>
      %dma_wait3A_501 = tpu.memref_squeeze %dma_wait3A_500 : memref<1x128x32xf32, #tpu.memory_space<vmem>> -> memref<128x32xf32, #tpu.memory_space<vmem>>
      %dma_wait3A_502 = arith.constant 0 : i32
      %dma_wait3A_503 = tpu.memref_slice %arg6[%add3A_495, %dma_wait3A_502] : memref<80x128xi32, #tpu.memory_space<vmem>> -> memref<1x128xi32, #tpu.memory_space<vmem>>
      %dma_wait3A_504 = tpu.memref_squeeze %dma_wait3A_503 : memref<1x128xi32, #tpu.memory_space<vmem>> -> memref<128xi32, #tpu.memory_space<vmem>>
      %dma_wait3A_505 = arith.constant 0 : i32
      %dma_wait3A_506 = arith.constant 0 : i32
      %dma_wait3A_507 = tpu.memref_slice %arg10[%dma_wait3A_505, %dma_wait3A_506] : memref<10240x32xf32, #tpu.memory_space<vmem_shared>> -> memref<10240x32xf32, #tpu.memory_space<vmem_shared>>
      %dma_wait3A_508 = tpu.memref_slice %arg12[%dma_wait3A_497] : memref<8x!tpu.dma_semaphore, #tpu.memory_space<semaphore_mem>> -> memref<1x!tpu.dma_semaphore, #tpu.memory_space<semaphore_mem>>
      %dma_wait3A_509 = tpu.memref_squeeze %dma_wait3A_508 : memref<1x!tpu.dma_semaphore, #tpu.memory_space<semaphore_mem>> -> memref<!tpu.dma_semaphore, #tpu.memory_space<semaphore_mem>>
      tpu.wait_indirect_dma semaphore(%dma_wait3A_509 : memref<!tpu.dma_semaphore, #tpu.memory_space<semaphore_mem>>) src(%dma_wait3A_507 : memref<10240x32xf32, #tpu.memory_space<vmem_shared>>) dst(%dma_wait3A_501 : memref<128x32xf32, #tpu.memory_space<vmem>>)
      %dma_start3A_510 = arith.constant 7 : i32
      %dma_start3A_511 = arith.constant 7 : i32
      %dma_start3A_512 = arith.constant 0 : i32
      %dma_start3A_513 = arith.constant 0 : i32
      %dma_start3A_514 = tpu.memref_slice %arg8[%dma_start3A_510, %dma_start3A_512, %dma_start3A_513] : memref<8x128x32xf32, #tpu.memory_space<vmem>> -> memref<1x128x32xf32, #tpu.memory_space<vmem>>
      %dma_start3A_515 = tpu.memref_squeeze %dma_start3A_514 : memref<1x128x32xf32, #tpu.memory_space<vmem>> -> memref<128x32xf32, #tpu.memory_space<vmem>>
      %dma_start3A_516 = arith.constant 0 : i32
      %dma_start3A_517 = tpu.memref_slice %arg7[%add3A_495, %dma_start3A_516] : memref<80x128xi32, #tpu.memory_space<vmem>> -> memref<1x128xi32, #tpu.memory_space<vmem>>
      %dma_start3A_518 = tpu.memref_squeeze %dma_start3A_517 : memref<1x128xi32, #tpu.memory_space<vmem>> -> memref<128xi32, #tpu.memory_space<vmem>>
      %dma_start3A_519 = arith.constant 0 : i32
      %dma_start3A_520 = arith.constant 0 : i32
      %dma_start3A_521 = tpu.memref_slice %arg11[%dma_start3A_519, %dma_start3A_520] : memref<10240x32xf32, #tpu.memory_space<vmem_shared>> -> memref<10240x32xf32, #tpu.memory_space<vmem_shared>>
      %dma_start3A_522 = tpu.memref_slice %arg13[%dma_start3A_511] : memref<8x!tpu.dma_semaphore, #tpu.memory_space<semaphore_mem>> -> memref<1x!tpu.dma_semaphore, #tpu.memory_space<semaphore_mem>>
      %dma_start3A_523 = tpu.memref_squeeze %dma_start3A_522 : memref<1x!tpu.dma_semaphore, #tpu.memory_space<semaphore_mem>> -> memref<!tpu.dma_semaphore, #tpu.memory_space<semaphore_mem>>
      tpu.enqueue_indirect_dma source(%dma_start3A_515 : memref<128x32xf32, #tpu.memory_space<vmem>>) target(%dma_start3A_521 : memref<10240x32xf32, #tpu.memory_space<vmem_shared>>) offsets(%dma_start3A_518 : memref<128xi32, #tpu.memory_space<vmem>>) semaphore(%dma_start3A_523 : memref<!tpu.dma_semaphore, #tpu.memory_space<semaphore_mem>>) {add = true}
      %add3A_524 = arith.constant 4 : i32
      %add3A_525 = arith.addi %add3A_495, %add3A_524 : i32
      %ge3A_526 = arith.constant 8 : i32
      %ge3A_527 = arith.cmpi sge, %add3A_525, %ge3A_526 : i32
      %convert_element_type3A_528 = arith.extui %ge3A_527 : i1 to i32
      %cond3A_529 = arith.constant 0 : i32
      %cond3A_530 = arith.cmpi ne, %convert_element_type3A_528, %cond3A_529 : i32
      scf.if %cond3A_530 {
        %lt3A_536 = arith.constant 80 : i32
        %lt3A_537 = arith.cmpi slt, %add3A_525, %lt3A_536 : i32
        %convert_element_type3A_538 = arith.extui %lt3A_537 : i1 to i32
        %cond3A_539 = arith.constant 0 : i32
        %cond3A_540 = arith.cmpi ne, %convert_element_type3A_538, %cond3A_539 : i32
        scf.if %cond3A_540 {
          %sub3A = arith.constant 8 : i32
          %sub3A_541 = arith.subi %add3A_525, %sub3A : i32
          %dma_wait3A_542 = arith.constant 3 : i32
          %dma_wait3A_543 = arith.constant 3 : i32
          %dma_wait3A_544 = arith.constant 0 : i32
          %dma_wait3A_545 = arith.constant 0 : i32
          %dma_wait3A_546 = tpu.memref_slice %arg8[%dma_wait3A_542, %dma_wait3A_544, %dma_wait3A_545] : memref<8x128x32xf32, #tpu.memory_space<vmem>> -> memref<1x128x32xf32, #tpu.memory_space<vmem>>
          %dma_wait3A_547 = tpu.memref_squeeze %dma_wait3A_546 : memref<1x128x32xf32, #tpu.memory_space<vmem>> -> memref<128x32xf32, #tpu.memory_space<vmem>>
          %dma_wait3A_548 = arith.constant 0 : i32
          %dma_wait3A_549 = tpu.memref_slice %arg7[%sub3A_541, %dma_wait3A_548] : memref<80x128xi32, #tpu.memory_space<vmem>> -> memref<1x128xi32, #tpu.memory_space<vmem>>
          %dma_wait3A_550 = tpu.memref_squeeze %dma_wait3A_549 : memref<1x128xi32, #tpu.memory_space<vmem>> -> memref<128xi32, #tpu.memory_space<vmem>>
          %dma_wait3A_551 = arith.constant 0 : i32
          %dma_wait3A_552 = arith.constant 0 : i32
          %dma_wait3A_553 = tpu.memref_slice %arg11[%dma_wait3A_551, %dma_wait3A_552] : memref<10240x32xf32, #tpu.memory_space<vmem_shared>> -> memref<10240x32xf32, #tpu.memory_space<vmem_shared>>
          %dma_wait3A_554 = tpu.memref_slice %arg13[%dma_wait3A_543] : memref<8x!tpu.dma_semaphore, #tpu.memory_space<semaphore_mem>> -> memref<1x!tpu.dma_semaphore, #tpu.memory_space<semaphore_mem>>
          %dma_wait3A_555 = tpu.memref_squeeze %dma_wait3A_554 : memref<1x!tpu.dma_semaphore, #tpu.memory_space<semaphore_mem>> -> memref<!tpu.dma_semaphore, #tpu.memory_space<semaphore_mem>>
          tpu.wait_indirect_dma semaphore(%dma_wait3A_555 : memref<!tpu.dma_semaphore, #tpu.memory_space<semaphore_mem>>) src(%dma_wait3A_547 : memref<128x32xf32, #tpu.memory_space<vmem>>) dst(%dma_wait3A_553 : memref<10240x32xf32, #tpu.memory_space<vmem_shared>>)
        } else {
        }
      } else {
      }
      %lt3A_531 = arith.constant 80 : i32
      %lt3A_532 = arith.cmpi slt, %add3A_525, %lt3A_531 : i32
      %convert_element_type3A_533 = arith.extui %lt3A_532 : i1 to i32
      %cond3A_534 = arith.constant 0 : i32
      %cond3A_535 = arith.cmpi ne, %convert_element_type3A_533, %cond3A_534 : i32
      scf.if %cond3A_535 {
        %dma_start3A_536 = arith.constant 3 : i32
        %dma_start3A_537 = arith.constant 3 : i32
        %dma_start3A_538 = arith.constant 0 : i32
        %dma_start3A_539 = arith.constant 0 : i32
        %dma_start3A_540 = tpu.memref_slice %arg8[%dma_start3A_536, %dma_start3A_538, %dma_start3A_539] : memref<8x128x32xf32, #tpu.memory_space<vmem>> -> memref<1x128x32xf32, #tpu.memory_space<vmem>>
        %dma_start3A_541 = tpu.memref_squeeze %dma_start3A_540 : memref<1x128x32xf32, #tpu.memory_space<vmem>> -> memref<128x32xf32, #tpu.memory_space<vmem>>
        %dma_start3A_542 = arith.constant 0 : i32
        %dma_start3A_543 = tpu.memref_slice %arg6[%add3A_525, %dma_start3A_542] : memref<80x128xi32, #tpu.memory_space<vmem>> -> memref<1x128xi32, #tpu.memory_space<vmem>>
        %dma_start3A_544 = tpu.memref_squeeze %dma_start3A_543 : memref<1x128xi32, #tpu.memory_space<vmem>> -> memref<128xi32, #tpu.memory_space<vmem>>
        %dma_start3A_545 = arith.constant 0 : i32
        %dma_start3A_546 = arith.constant 0 : i32
        %dma_start3A_547 = tpu.memref_slice %arg10[%dma_start3A_545, %dma_start3A_546] : memref<10240x32xf32, #tpu.memory_space<vmem_shared>> -> memref<10240x32xf32, #tpu.memory_space<vmem_shared>>
        %dma_start3A_548 = tpu.memref_slice %arg12[%dma_start3A_537] : memref<8x!tpu.dma_semaphore, #tpu.memory_space<semaphore_mem>> -> memref<1x!tpu.dma_semaphore, #tpu.memory_space<semaphore_mem>>
        %dma_start3A_549 = tpu.memref_squeeze %dma_start3A_548 : memref<1x!tpu.dma_semaphore, #tpu.memory_space<semaphore_mem>> -> memref<!tpu.dma_semaphore, #tpu.memory_space<semaphore_mem>>
        tpu.enqueue_indirect_dma source(%dma_start3A_547 : memref<10240x32xf32, #tpu.memory_space<vmem_shared>>) target(%dma_start3A_541 : memref<128x32xf32, #tpu.memory_space<vmem>>) offsets(%dma_start3A_544 : memref<128xi32, #tpu.memory_space<vmem>>) semaphore(%dma_start3A_549 : memref<!tpu.dma_semaphore, #tpu.memory_space<semaphore_mem>>)
      } else {
      }
    }
    %scan3A_76 = arith.constant 10 : i32
    %dma_wait3A = arith.constant 0 : i32
    %dma_wait3A_77 = arith.constant 72 : i32
    %dma_wait3A_78 = arith.constant 0 : i32
    %dma_wait3A_79 = arith.constant 0 : i32
    %dma_wait3A_80 = arith.constant 0 : i32
    %dma_wait3A_81 = tpu.memref_slice %arg8[%dma_wait3A, %dma_wait3A_79, %dma_wait3A_80] : memref<8x128x32xf32, #tpu.memory_space<vmem>> -> memref<1x128x32xf32, #tpu.memory_space<vmem>>
    %dma_wait3A_82 = tpu.memref_squeeze %dma_wait3A_81 : memref<1x128x32xf32, #tpu.memory_space<vmem>> -> memref<128x32xf32, #tpu.memory_space<vmem>>
    %dma_wait3A_83 = arith.constant 0 : i32
    %dma_wait3A_84 = tpu.memref_slice %arg7[%dma_wait3A_77, %dma_wait3A_83] : memref<80x128xi32, #tpu.memory_space<vmem>> -> memref<1x128xi32, #tpu.memory_space<vmem>>
    %dma_wait3A_85 = tpu.memref_squeeze %dma_wait3A_84 : memref<1x128xi32, #tpu.memory_space<vmem>> -> memref<128xi32, #tpu.memory_space<vmem>>
    %dma_wait3A_86 = arith.constant 0 : i32
    %dma_wait3A_87 = arith.constant 0 : i32
    %dma_wait3A_88 = tpu.memref_slice %arg11[%dma_wait3A_86, %dma_wait3A_87] : memref<10240x32xf32, #tpu.memory_space<vmem_shared>> -> memref<10240x32xf32, #tpu.memory_space<vmem_shared>>
    %dma_wait3A_89 = tpu.memref_slice %arg13[%dma_wait3A_78] : memref<8x!tpu.dma_semaphore, #tpu.memory_space<semaphore_mem>> -> memref<1x!tpu.dma_semaphore, #tpu.memory_space<semaphore_mem>>
    %dma_wait3A_90 = tpu.memref_squeeze %dma_wait3A_89 : memref<1x!tpu.dma_semaphore, #tpu.memory_space<semaphore_mem>> -> memref<!tpu.dma_semaphore, #tpu.memory_space<semaphore_mem>>
    tpu.wait_indirect_dma semaphore(%dma_wait3A_90 : memref<!tpu.dma_semaphore, #tpu.memory_space<semaphore_mem>>) src(%dma_wait3A_82 : memref<128x32xf32, #tpu.memory_space<vmem>>) dst(%dma_wait3A_88 : memref<10240x32xf32, #tpu.memory_space<vmem_shared>>)
    %dma_wait3A_91 = arith.constant 1 : i32
    %dma_wait3A_92 = arith.constant 73 : i32
    %dma_wait3A_93 = arith.constant 1 : i32
    %dma_wait3A_94 = arith.constant 0 : i32
    %dma_wait3A_95 = arith.constant 0 : i32
    %dma_wait3A_96 = tpu.memref_slice %arg8[%dma_wait3A_91, %dma_wait3A_94, %dma_wait3A_95] : memref<8x128x32xf32, #tpu.memory_space<vmem>> -> memref<1x128x32xf32, #tpu.memory_space<vmem>>
    %dma_wait3A_97 = tpu.memref_squeeze %dma_wait3A_96 : memref<1x128x32xf32, #tpu.memory_space<vmem>> -> memref<128x32xf32, #tpu.memory_space<vmem>>
    %dma_wait3A_98 = arith.constant 0 : i32
    %dma_wait3A_99 = tpu.memref_slice %arg7[%dma_wait3A_92, %dma_wait3A_98] : memref<80x128xi32, #tpu.memory_space<vmem>> -> memref<1x128xi32, #tpu.memory_space<vmem>>
    %dma_wait3A_100 = tpu.memref_squeeze %dma_wait3A_99 : memref<1x128xi32, #tpu.memory_space<vmem>> -> memref<128xi32, #tpu.memory_space<vmem>>
    %dma_wait3A_101 = arith.constant 0 : i32
    %dma_wait3A_102 = arith.constant 0 : i32
    %dma_wait3A_103 = tpu.memref_slice %arg11[%dma_wait3A_101, %dma_wait3A_102] : memref<10240x32xf32, #tpu.memory_space<vmem_shared>> -> memref<10240x32xf32, #tpu.memory_space<vmem_shared>>
    %dma_wait3A_104 = tpu.memref_slice %arg13[%dma_wait3A_93] : memref<8x!tpu.dma_semaphore, #tpu.memory_space<semaphore_mem>> -> memref<1x!tpu.dma_semaphore, #tpu.memory_space<semaphore_mem>>
    %dma_wait3A_105 = tpu.memref_squeeze %dma_wait3A_104 : memref<1x!tpu.dma_semaphore, #tpu.memory_space<semaphore_mem>> -> memref<!tpu.dma_semaphore, #tpu.memory_space<semaphore_mem>>
    tpu.wait_indirect_dma semaphore(%dma_wait3A_105 : memref<!tpu.dma_semaphore, #tpu.memory_space<semaphore_mem>>) src(%dma_wait3A_97 : memref<128x32xf32, #tpu.memory_space<vmem>>) dst(%dma_wait3A_103 : memref<10240x32xf32, #tpu.memory_space<vmem_shared>>)
    %dma_wait3A_106 = arith.constant 2 : i32
    %dma_wait3A_107 = arith.constant 74 : i32
    %dma_wait3A_108 = arith.constant 2 : i32
    %dma_wait3A_109 = arith.constant 0 : i32
    %dma_wait3A_110 = arith.constant 0 : i32
    %dma_wait3A_111 = tpu.memref_slice %arg8[%dma_wait3A_106, %dma_wait3A_109, %dma_wait3A_110] : memref<8x128x32xf32, #tpu.memory_space<vmem>> -> memref<1x128x32xf32, #tpu.memory_space<vmem>>
    %dma_wait3A_112 = tpu.memref_squeeze %dma_wait3A_111 : memref<1x128x32xf32, #tpu.memory_space<vmem>> -> memref<128x32xf32, #tpu.memory_space<vmem>>
    %dma_wait3A_113 = arith.constant 0 : i32
    %dma_wait3A_114 = tpu.memref_slice %arg7[%dma_wait3A_107, %dma_wait3A_113] : memref<80x128xi32, #tpu.memory_space<vmem>> -> memref<1x128xi32, #tpu.memory_space<vmem>>
    %dma_wait3A_115 = tpu.memref_squeeze %dma_wait3A_114 : memref<1x128xi32, #tpu.memory_space<vmem>> -> memref<128xi32, #tpu.memory_space<vmem>>
    %dma_wait3A_116 = arith.constant 0 : i32
    %dma_wait3A_117 = arith.constant 0 : i32
    %dma_wait3A_118 = tpu.memref_slice %arg11[%dma_wait3A_116, %dma_wait3A_117] : memref<10240x32xf32, #tpu.memory_space<vmem_shared>> -> memref<10240x32xf32, #tpu.memory_space<vmem_shared>>
    %dma_wait3A_119 = tpu.memref_slice %arg13[%dma_wait3A_108] : memref<8x!tpu.dma_semaphore, #tpu.memory_space<semaphore_mem>> -> memref<1x!tpu.dma_semaphore, #tpu.memory_space<semaphore_mem>>
    %dma_wait3A_120 = tpu.memref_squeeze %dma_wait3A_119 : memref<1x!tpu.dma_semaphore, #tpu.memory_space<semaphore_mem>> -> memref<!tpu.dma_semaphore, #tpu.memory_space<semaphore_mem>>
    tpu.wait_indirect_dma semaphore(%dma_wait3A_120 : memref<!tpu.dma_semaphore, #tpu.memory_space<semaphore_mem>>) src(%dma_wait3A_112 : memref<128x32xf32, #tpu.memory_space<vmem>>) dst(%dma_wait3A_118 : memref<10240x32xf32, #tpu.memory_space<vmem_shared>>)
    %dma_wait3A_121 = arith.constant 3 : i32
    %dma_wait3A_122 = arith.constant 75 : i32
    %dma_wait3A_123 = arith.constant 3 : i32
    %dma_wait3A_124 = arith.constant 0 : i32
    %dma_wait3A_125 = arith.constant 0 : i32
    %dma_wait3A_126 = tpu.memref_slice %arg8[%dma_wait3A_121, %dma_wait3A_124, %dma_wait3A_125] : memref<8x128x32xf32, #tpu.memory_space<vmem>> -> memref<1x128x32xf32, #tpu.memory_space<vmem>>
    %dma_wait3A_127 = tpu.memref_squeeze %dma_wait3A_126 : memref<1x128x32xf32, #tpu.memory_space<vmem>> -> memref<128x32xf32, #tpu.memory_space<vmem>>
    %dma_wait3A_128 = arith.constant 0 : i32
    %dma_wait3A_129 = tpu.memref_slice %arg7[%dma_wait3A_122, %dma_wait3A_128] : memref<80x128xi32, #tpu.memory_space<vmem>> -> memref<1x128xi32, #tpu.memory_space<vmem>>
    %dma_wait3A_130 = tpu.memref_squeeze %dma_wait3A_129 : memref<1x128xi32, #tpu.memory_space<vmem>> -> memref<128xi32, #tpu.memory_space<vmem>>
    %dma_wait3A_131 = arith.constant 0 : i32
    %dma_wait3A_132 = arith.constant 0 : i32
    %dma_wait3A_133 = tpu.memref_slice %arg11[%dma_wait3A_131, %dma_wait3A_132] : memref<10240x32xf32, #tpu.memory_space<vmem_shared>> -> memref<10240x32xf32, #tpu.memory_space<vmem_shared>>
    %dma_wait3A_134 = tpu.memref_slice %arg13[%dma_wait3A_123] : memref<8x!tpu.dma_semaphore, #tpu.memory_space<semaphore_mem>> -> memref<1x!tpu.dma_semaphore, #tpu.memory_space<semaphore_mem>>
    %dma_wait3A_135 = tpu.memref_squeeze %dma_wait3A_134 : memref<1x!tpu.dma_semaphore, #tpu.memory_space<semaphore_mem>> -> memref<!tpu.dma_semaphore, #tpu.memory_space<semaphore_mem>>
    tpu.wait_indirect_dma semaphore(%dma_wait3A_135 : memref<!tpu.dma_semaphore, #tpu.memory_space<semaphore_mem>>) src(%dma_wait3A_127 : memref<128x32xf32, #tpu.memory_space<vmem>>) dst(%dma_wait3A_133 : memref<10240x32xf32, #tpu.memory_space<vmem_shared>>)
    %dma_wait3A_136 = arith.constant 4 : i32
    %dma_wait3A_137 = arith.constant 76 : i32
    %dma_wait3A_138 = arith.constant 4 : i32
    %dma_wait3A_139 = arith.constant 0 : i32
    %dma_wait3A_140 = arith.constant 0 : i32
    %dma_wait3A_141 = tpu.memref_slice %arg8[%dma_wait3A_136, %dma_wait3A_139, %dma_wait3A_140] : memref<8x128x32xf32, #tpu.memory_space<vmem>> -> memref<1x128x32xf32, #tpu.memory_space<vmem>>
    %dma_wait3A_142 = tpu.memref_squeeze %dma_wait3A_141 : memref<1x128x32xf32, #tpu.memory_space<vmem>> -> memref<128x32xf32, #tpu.memory_space<vmem>>
    %dma_wait3A_143 = arith.constant 0 : i32
    %dma_wait3A_144 = tpu.memref_slice %arg7[%dma_wait3A_137, %dma_wait3A_143] : memref<80x128xi32, #tpu.memory_space<vmem>> -> memref<1x128xi32, #tpu.memory_space<vmem>>
    %dma_wait3A_145 = tpu.memref_squeeze %dma_wait3A_144 : memref<1x128xi32, #tpu.memory_space<vmem>> -> memref<128xi32, #tpu.memory_space<vmem>>
    %dma_wait3A_146 = arith.constant 0 : i32
    %dma_wait3A_147 = arith.constant 0 : i32
    %dma_wait3A_148 = tpu.memref_slice %arg11[%dma_wait3A_146, %dma_wait3A_147] : memref<10240x32xf32, #tpu.memory_space<vmem_shared>> -> memref<10240x32xf32, #tpu.memory_space<vmem_shared>>
    %dma_wait3A_149 = tpu.memref_slice %arg13[%dma_wait3A_138] : memref<8x!tpu.dma_semaphore, #tpu.memory_space<semaphore_mem>> -> memref<1x!tpu.dma_semaphore, #tpu.memory_space<semaphore_mem>>
    %dma_wait3A_150 = tpu.memref_squeeze %dma_wait3A_149 : memref<1x!tpu.dma_semaphore, #tpu.memory_space<semaphore_mem>> -> memref<!tpu.dma_semaphore, #tpu.memory_space<semaphore_mem>>
    tpu.wait_indirect_dma semaphore(%dma_wait3A_150 : memref<!tpu.dma_semaphore, #tpu.memory_space<semaphore_mem>>) src(%dma_wait3A_142 : memref<128x32xf32, #tpu.memory_space<vmem>>) dst(%dma_wait3A_148 : memref<10240x32xf32, #tpu.memory_space<vmem_shared>>)
    %dma_wait3A_151 = arith.constant 5 : i32
    %dma_wait3A_152 = arith.constant 77 : i32
    %dma_wait3A_153 = arith.constant 5 : i32
    %dma_wait3A_154 = arith.constant 0 : i32
    %dma_wait3A_155 = arith.constant 0 : i32
    %dma_wait3A_156 = tpu.memref_slice %arg8[%dma_wait3A_151, %dma_wait3A_154, %dma_wait3A_155] : memref<8x128x32xf32, #tpu.memory_space<vmem>> -> memref<1x128x32xf32, #tpu.memory_space<vmem>>
    %dma_wait3A_157 = tpu.memref_squeeze %dma_wait3A_156 : memref<1x128x32xf32, #tpu.memory_space<vmem>> -> memref<128x32xf32, #tpu.memory_space<vmem>>
    %dma_wait3A_158 = arith.constant 0 : i32
    %dma_wait3A_159 = tpu.memref_slice %arg7[%dma_wait3A_152, %dma_wait3A_158] : memref<80x128xi32, #tpu.memory_space<vmem>> -> memref<1x128xi32, #tpu.memory_space<vmem>>
    %dma_wait3A_160 = tpu.memref_squeeze %dma_wait3A_159 : memref<1x128xi32, #tpu.memory_space<vmem>> -> memref<128xi32, #tpu.memory_space<vmem>>
    %dma_wait3A_161 = arith.constant 0 : i32
    %dma_wait3A_162 = arith.constant 0 : i32
    %dma_wait3A_163 = tpu.memref_slice %arg11[%dma_wait3A_161, %dma_wait3A_162] : memref<10240x32xf32, #tpu.memory_space<vmem_shared>> -> memref<10240x32xf32, #tpu.memory_space<vmem_shared>>
    %dma_wait3A_164 = tpu.memref_slice %arg13[%dma_wait3A_153] : memref<8x!tpu.dma_semaphore, #tpu.memory_space<semaphore_mem>> -> memref<1x!tpu.dma_semaphore, #tpu.memory_space<semaphore_mem>>
    %dma_wait3A_165 = tpu.memref_squeeze %dma_wait3A_164 : memref<1x!tpu.dma_semaphore, #tpu.memory_space<semaphore_mem>> -> memref<!tpu.dma_semaphore, #tpu.memory_space<semaphore_mem>>
    tpu.wait_indirect_dma semaphore(%dma_wait3A_165 : memref<!tpu.dma_semaphore, #tpu.memory_space<semaphore_mem>>) src(%dma_wait3A_157 : memref<128x32xf32, #tpu.memory_space<vmem>>) dst(%dma_wait3A_163 : memref<10240x32xf32, #tpu.memory_space<vmem_shared>>)
    %dma_wait3A_166 = arith.constant 6 : i32
    %dma_wait3A_167 = arith.constant 78 : i32
    %dma_wait3A_168 = arith.constant 6 : i32
    %dma_wait3A_169 = arith.constant 0 : i32
    %dma_wait3A_170 = arith.constant 0 : i32
    %dma_wait3A_171 = tpu.memref_slice %arg8[%dma_wait3A_166, %dma_wait3A_169, %dma_wait3A_170] : memref<8x128x32xf32, #tpu.memory_space<vmem>> -> memref<1x128x32xf32, #tpu.memory_space<vmem>>
    %dma_wait3A_172 = tpu.memref_squeeze %dma_wait3A_171 : memref<1x128x32xf32, #tpu.memory_space<vmem>> -> memref<128x32xf32, #tpu.memory_space<vmem>>
    %dma_wait3A_173 = arith.constant 0 : i32
    %dma_wait3A_174 = tpu.memref_slice %arg7[%dma_wait3A_167, %dma_wait3A_173] : memref<80x128xi32, #tpu.memory_space<vmem>> -> memref<1x128xi32, #tpu.memory_space<vmem>>
    %dma_wait3A_175 = tpu.memref_squeeze %dma_wait3A_174 : memref<1x128xi32, #tpu.memory_space<vmem>> -> memref<128xi32, #tpu.memory_space<vmem>>
    %dma_wait3A_176 = arith.constant 0 : i32
    %dma_wait3A_177 = arith.constant 0 : i32
    %dma_wait3A_178 = tpu.memref_slice %arg11[%dma_wait3A_176, %dma_wait3A_177] : memref<10240x32xf32, #tpu.memory_space<vmem_shared>> -> memref<10240x32xf32, #tpu.memory_space<vmem_shared>>
    %dma_wait3A_179 = tpu.memref_slice %arg13[%dma_wait3A_168] : memref<8x!tpu.dma_semaphore, #tpu.memory_space<semaphore_mem>> -> memref<1x!tpu.dma_semaphore, #tpu.memory_space<semaphore_mem>>
    %dma_wait3A_180 = tpu.memref_squeeze %dma_wait3A_179 : memref<1x!tpu.dma_semaphore, #tpu.memory_space<semaphore_mem>> -> memref<!tpu.dma_semaphore, #tpu.memory_space<semaphore_mem>>
    tpu.wait_indirect_dma semaphore(%dma_wait3A_180 : memref<!tpu.dma_semaphore, #tpu.memory_space<semaphore_mem>>) src(%dma_wait3A_172 : memref<128x32xf32, #tpu.memory_space<vmem>>) dst(%dma_wait3A_178 : memref<10240x32xf32, #tpu.memory_space<vmem_shared>>)
    %dma_wait3A_181 = arith.constant 7 : i32
    %dma_wait3A_182 = arith.constant 79 : i32
    %dma_wait3A_183 = arith.constant 7 : i32
    %dma_wait3A_184 = arith.constant 0 : i32
    %dma_wait3A_185 = arith.constant 0 : i32
    %dma_wait3A_186 = tpu.memref_slice %arg8[%dma_wait3A_181, %dma_wait3A_184, %dma_wait3A_185] : memref<8x128x32xf32, #tpu.memory_space<vmem>> -> memref<1x128x32xf32, #tpu.memory_space<vmem>>
    %dma_wait3A_187 = tpu.memref_squeeze %dma_wait3A_186 : memref<1x128x32xf32, #tpu.memory_space<vmem>> -> memref<128x32xf32, #tpu.memory_space<vmem>>
    %dma_wait3A_188 = arith.constant 0 : i32
    %dma_wait3A_189 = tpu.memref_slice %arg7[%dma_wait3A_182, %dma_wait3A_188] : memref<80x128xi32, #tpu.memory_space<vmem>> -> memref<1x128xi32, #tpu.memory_space<vmem>>
    %dma_wait3A_190 = tpu.memref_squeeze %dma_wait3A_189 : memref<1x128xi32, #tpu.memory_space<vmem>> -> memref<128xi32, #tpu.memory_space<vmem>>
    %dma_wait3A_191 = arith.constant 0 : i32
    %dma_wait3A_192 = arith.constant 0 : i32
    %dma_wait3A_193 = tpu.memref_slice %arg11[%dma_wait3A_191, %dma_wait3A_192] : memref<10240x32xf32, #tpu.memory_space<vmem_shared>> -> memref<10240x32xf32, #tpu.memory_space<vmem_shared>>
    %dma_wait3A_194 = tpu.memref_slice %arg13[%dma_wait3A_183] : memref<8x!tpu.dma_semaphore, #tpu.memory_space<semaphore_mem>> -> memref<1x!tpu.dma_semaphore, #tpu.memory_space<semaphore_mem>>
    %dma_wait3A_195 = tpu.memref_squeeze %dma_wait3A_194 : memref<1x!tpu.dma_semaphore, #tpu.memory_space<semaphore_mem>> -> memref<!tpu.dma_semaphore, #tpu.memory_space<semaphore_mem>>
    tpu.wait_indirect_dma semaphore(%dma_wait3A_195 : memref<!tpu.dma_semaphore, #tpu.memory_space<semaphore_mem>>) src(%dma_wait3A_187 : memref<128x32xf32, #tpu.memory_space<vmem>>) dst(%dma_wait3A_193 : memref<10240x32xf32, #tpu.memory_space<vmem_shared>>)
    %barrier3A_196 = arith.constant 0 : index
    tpu.barrier barrier_id(%barrier3A_196)
    %mul3A_197 = arith.constant 640 : i32
    %mul3A_198 = arith.muli %arg1, %mul3A_197 : i32
    %mul3A_199 = arith.constant 640 : i32
    %mul3A_200 = arith.muli %arg1, %mul3A_199 : i32
    "tpu.region"() ({
      %run_scoped3A = tpu.sem_alloc : memref<!tpu.dma_semaphore, #tpu.memory_space<semaphore_mem>>
      %dma_start3A_201 = arith.constant 0 : i32
      %dma_start3A_202 = tpu.memref_slice %arg5[%arg0, %mul3A_200, %dma_start3A_201] : memref<2x10240x32xf32, #tpu.memory_space<hbm>> -> memref<1x640x32xf32, #tpu.memory_space<hbm>>
      %dma_start3A_203 = tpu.memref_squeeze %dma_start3A_202 : memref<1x640x32xf32, #tpu.memory_space<hbm>> -> memref<640x32xf32, #tpu.memory_space<hbm>>
      %dma_start3A_204 = arith.constant 0 : i32
      %dma_start3A_205 = tpu.memref_slice %arg11[%mul3A_198, %dma_start3A_204] : memref<10240x32xf32, #tpu.memory_space<vmem_shared>> -> memref<640x32xf32, #tpu.memory_space<vmem_shared>>
      tpu.enqueue_dma source(%dma_start3A_205 : memref<640x32xf32, #tpu.memory_space<vmem_shared>>) target(%dma_start3A_203 : memref<640x32xf32, #tpu.memory_space<hbm>>) target_semaphore(%run_scoped3A : memref<!tpu.dma_semaphore, #tpu.memory_space<semaphore_mem>>)
      %dma_wait3A_206 = arith.constant 0 : i32
      %dma_wait3A_207 = tpu.memref_slice %arg5[%arg0, %mul3A_200, %dma_wait3A_206] : memref<2x10240x32xf32, #tpu.memory_space<hbm>> -> memref<1x640x32xf32, #tpu.memory_space<hbm>>
      %dma_wait3A_208 = tpu.memref_squeeze %dma_wait3A_207 : memref<1x640x32xf32, #tpu.memory_space<hbm>> -> memref<640x32xf32, #tpu.memory_space<hbm>>
      %dma_wait3A_209 = arith.constant 0 : i32
      %dma_wait3A_210 = tpu.memref_slice %arg11[%mul3A_198, %dma_wait3A_209] : memref<10240x32xf32, #tpu.memory_space<vmem_shared>> -> memref<640x32xf32, #tpu.memory_space<vmem_shared>>
      tpu.wait_dma2 semaphore(%run_scoped3A : memref<!tpu.dma_semaphore, #tpu.memory_space<semaphore_mem>>) src(%dma_wait3A_210 : memref<640x32xf32, #tpu.memory_space<vmem_shared>>) dst(%dma_wait3A_208 : memref<640x32xf32, #tpu.memory_space<hbm>>)
      tpu.yield
    }) : () -> ()
    return
  }
}

module attributes {stable_mosaic.version = 14 : i64} {
  func.func @_mm_body(%arg0: memref<10240x128xf32, #tpu.memory_space<vmem>>, %arg1: memref<128x32xf32, #tpu.memory_space<vmem>>, %arg2: memref<10240x32xf32, #tpu.memory_space<vmem>>) attributes {dimension_semantics = [], scalar_prefetch = 0 : i64, scratch_operands = 0 : i64, tpu.core_type = #tpu.core_type<tc>} {
    %get3A = arith.constant 0 : index
    %get3A_0 = arith.constant 0 : index
    %get3A_1 = vector.load %arg0[%get3A, %get3A_0] : memref<10240x128xf32, #tpu.memory_space<vmem>>, vector<10240x128xf32>
    %get3A_2 = arith.constant 0 : index
    %get3A_3 = arith.constant 0 : index
    %get3A_4 = vector.load %arg1[%get3A_2, %get3A_3] : memref<128x32xf32, #tpu.memory_space<vmem>>, vector<128x32xf32>
    %dot_general3A = arith.constant dense<0.000000e+00> : vector<10240x32xf32>
    %dot_general3A_5 = tpu.matmul %get3A_1, %get3A_4, %dot_general3A {dimension_numbers = #tpu.dot_dimension_numbers<[1], [0], [0], [1], [0, 0, 1, 1], [], []>, transpose_lhs_hint = false} : vector<10240x128xf32>, vector<128x32xf32>, vector<10240x32xf32> -> vector<10240x32xf32>
    %swap3A = arith.constant 0 : index
    %swap3A_6 = arith.constant 0 : index
    %swap3A_7 = vector.load %arg2[%swap3A, %swap3A_6] : memref<10240x32xf32, #tpu.memory_space<vmem>>, vector<10240x32xf32>
    tpu.vector_store %arg2[%swap3A, %swap3A_6], %dot_general3A_5 {strides = array<i32>} : memref<10240x32xf32, #tpu.memory_space<vmem>>, vector<10240x32xf32>,
    return
  }
}

module attributes {stable_mosaic.version = 14 : i64} {
  func.func @_scale_body(%arg0: memref<32x10240xf32, #tpu.memory_space<vmem>>, %arg1: memref<10240x32xf32, #tpu.memory_space<vmem>>, %arg2: memref<32x1xf32, #tpu.memory_space<vmem>>, %arg3: memref<10240x32xf32, #tpu.memory_space<vmem>>, %arg4: memref<10240x1xf32, #tpu.memory_space<vmem>>) attributes {dimension_semantics = [], scalar_prefetch = 0 : i64, scratch_operands = 0 : i64, tpu.core_type = #tpu.core_type<tc>} {
    %get3A = arith.constant 0 : index
    %get3A_0 = arith.constant 0 : index
    %get3A_1 = vector.load %arg0[%get3A, %get3A_0] : memref<32x10240xf32, #tpu.memory_space<vmem>>, vector<32x10240xf32>
    %get3A_2 = arith.constant 0 : index
    %get3A_3 = arith.constant 0 : index
    %get3A_4 = vector.load %arg2[%get3A_2, %get3A_3] : memref<32x1xf32, #tpu.memory_space<vmem>>, vector<32x1xf32>
    %dot_general3A = arith.constant dense<0.000000e+00> : vector<10240x1xf32>
    %dot_general3A_5 = tpu.matmul %get3A_1, %get3A_4, %dot_general3A {dimension_numbers = #tpu.dot_dimension_numbers<[0], [0], [1], [1], [0, 1, 1, 1], [], []>, transpose_lhs_hint = false} : vector<32x10240xf32>, vector<32x1xf32>, vector<10240x1xf32> -> vector<10240x1xf32>
    %add3A = arith.constant 1.000000e+00 : f32
    %add3A_6 = vector.broadcast %add3A : f32 to vector<10240x1xf32>
    %add3A_7 = arith.addf %dot_general3A_5, %add3A_6 : vector<10240x1xf32>
    %rsqrt3A = math.rsqrt %add3A_7 : vector<10240x1xf32>
    %swap3A = arith.constant 0 : index
    %swap3A_8 = arith.constant 0 : index
    %swap3A_9 = vector.load %arg4[%swap3A, %swap3A_8] : memref<10240x1xf32, #tpu.memory_space<vmem>>, vector<10240x1xf32>
    tpu.vector_store %arg4[%swap3A, %swap3A_8], %rsqrt3A {strides = array<i32>} : memref<10240x1xf32, #tpu.memory_space<vmem>>, vector<10240x1xf32>,
    %get3A_10 = arith.constant 0 : index
    %get3A_11 = arith.constant 0 : index
    %get3A_12 = vector.load %arg1[%get3A_10, %get3A_11] : memref<10240x32xf32, #tpu.memory_space<vmem>>, vector<10240x32xf32>
    %mul3A = vector.broadcast %rsqrt3A : vector<10240x1xf32> to vector<10240x32xf32>
    %mul3A_13 = arith.mulf %mul3A, %get3A_12 : vector<10240x32xf32>
    %swap3A_14 = arith.constant 0 : index
    %swap3A_15 = arith.constant 0 : index
    %swap3A_16 = vector.load %arg3[%swap3A_14, %swap3A_15] : memref<10240x32xf32, #tpu.memory_space<vmem>>, vector<10240x32xf32>
    tpu.vector_store %arg3[%swap3A_14, %swap3A_15], %mul3A_13 {strides = array<i32>} : memref<10240x32xf32, #tpu.memory_space<vmem>>, vector<10240x32xf32>,
    return
  }
}

module attributes {stable_mosaic.version = 14 : i64} {
  func.func @_finish_body(%arg0: memref<2x10240x32xf32, #tpu.memory_space<vmem>>, %arg1: memref<10240x32xf32, #tpu.memory_space<vmem>>, %arg2: memref<10240x1xf32, #tpu.memory_space<vmem>>, %arg3: memref<1x32xf32, #tpu.memory_space<vmem>>, %arg4: memref<10240x16xf32, #tpu.memory_space<vmem>>, %arg5: memref<10240x16xf32, #tpu.memory_space<vmem>>, %arg6: memref<10240x16xf32, #tpu.memory_space<vmem>>, %arg7: memref<10240x16xf32, #tpu.memory_space<vmem>>) attributes {dimension_semantics = [], scalar_prefetch = 0 : i64, scratch_operands = 0 : i64, tpu.core_type = #tpu.core_type<tc>} {
    %get3A = arith.constant 0 : index
    %get3A_0 = arith.constant 0 : index
    %get3A_1 = vector.load %arg2[%get3A, %get3A_0] : memref<10240x1xf32, #tpu.memory_space<vmem>>, vector<10240x1xf32>
    %get3A_2 = arith.constant 0 : index
    %get3A_3 = arith.constant 0 : index
    %get3A_4 = arith.constant 0 : index
    %get3A_5 = vector.load %arg0[%get3A_2, %get3A_3, %get3A_4] : memref<2x10240x32xf32, #tpu.memory_space<vmem>>, vector<1x10240x32xf32>
    %get3A_6 = vector.shape_cast %get3A_5 : vector<1x10240x32xf32> to vector<10240x32xf32>
    %get3A_7 = arith.constant 1 : index
    %get3A_8 = arith.constant 0 : index
    %get3A_9 = arith.constant 0 : index
    %get3A_10 = vector.load %arg0[%get3A_7, %get3A_8, %get3A_9] : memref<2x10240x32xf32, #tpu.memory_space<vmem>>, vector<1x10240x32xf32>
    %get3A_11 = vector.shape_cast %get3A_10 : vector<1x10240x32xf32> to vector<10240x32xf32>
    %add3A = arith.addf %get3A_6, %get3A_11 : vector<10240x32xf32>
    %get3A_12 = arith.constant 0 : index
    %get3A_13 = arith.constant 0 : index
    %get3A_14 = vector.load %arg1[%get3A_12, %get3A_13] : memref<10240x32xf32, #tpu.memory_space<vmem>>, vector<10240x32xf32>
    %add3A_15 = arith.addf %add3A, %get3A_14 : vector<10240x32xf32>
    %mul3A = vector.broadcast %get3A_1 : vector<10240x1xf32> to vector<10240x32xf32>
    %mul3A_16 = arith.mulf %mul3A, %add3A_15 : vector<10240x32xf32>
    %get3A_17 = arith.constant 0 : index
    %get3A_18 = arith.constant 0 : index
    %get3A_19 = vector.load %arg3[%get3A_17, %get3A_18] : memref<1x32xf32, #tpu.memory_space<vmem>>, vector<1x32xf32>
    %add3A_20 = vector.broadcast %get3A_19 : vector<1x32xf32> to vector<10240x32xf32>
    %add3A_21 = arith.addf %mul3A_16, %add3A_20 : vector<10240x32xf32>
    %max3A = arith.constant 0.000000e+00 : f32
    %max3A_22 = vector.broadcast %max3A : f32 to vector<10240x32xf32>
    %max3A_23 = arith.maximumf %add3A_21, %max3A_22 : vector<10240x32xf32>
    %slice3A = vector.extract_strided_slice %max3A_23 {offsets = [0, 0], sizes = [10240, 16], strides = [1, 1]} : vector<10240x32xf32> to vector<10240x16xf32>
    %slice3A_24 = vector.extract_strided_slice %max3A_23 {offsets = [0, 16], sizes = [10240, 16], strides = [1, 1]} : vector<10240x32xf32> to vector<10240x16xf32>
    %swap3A = arith.constant 0 : index
    %swap3A_25 = arith.constant 0 : index
    %swap3A_26 = vector.load %arg6[%swap3A, %swap3A_25] : memref<10240x16xf32, #tpu.memory_space<vmem>>, vector<10240x16xf32>
    tpu.vector_store %arg6[%swap3A, %swap3A_25], %slice3A {strides = array<i32>} : memref<10240x16xf32, #tpu.memory_space<vmem>>, vector<10240x16xf32>,
    %swap3A_27 = arith.constant 0 : index
    %swap3A_28 = arith.constant 0 : index
    %swap3A_29 = vector.load %arg7[%swap3A_27, %swap3A_28] : memref<10240x16xf32, #tpu.memory_space<vmem>>, vector<10240x16xf32>
    tpu.vector_store %arg7[%swap3A_27, %swap3A_28], %slice3A_24 {strides = array<i32>} : memref<10240x16xf32, #tpu.memory_space<vmem>>, vector<10240x16xf32>,
    %get3A_30 = arith.constant 0 : index
    %get3A_31 = arith.constant 0 : index
    %get3A_32 = vector.load %arg4[%get3A_30, %get3A_31] : memref<10240x16xf32, #tpu.memory_space<vmem>>, vector<10240x16xf32>
    %mul3A_33 = arith.constant 5.000000e-01 : f32
    %mul3A_34 = vector.broadcast %mul3A_33 : f32 to vector<10240x16xf32>
    %mul3A_35 = arith.mulf %mul3A_34, %slice3A_24 : vector<10240x16xf32>
    %exp3A = math.exp %mul3A_35 : vector<10240x16xf32>
    %mul3A_36 = arith.mulf %get3A_32, %exp3A : vector<10240x16xf32>
    %add3A_37 = arith.addf %mul3A_36, %slice3A : vector<10240x16xf32>
    %swap3A_38 = arith.constant 0 : index
    %swap3A_39 = arith.constant 0 : index
    %swap3A_40 = vector.load %arg5[%swap3A_38, %swap3A_39] : memref<10240x16xf32, #tpu.memory_space<vmem>>, vector<10240x16xf32>
    tpu.vector_store %arg5[%swap3A_38, %swap3A_39], %add3A_37 {strides = array<i32>} : memref<10240x16xf32, #tpu.memory_space<vmem>>, vector<10240x16xf32>,
    return
  }
}

</mosaic_0001>

<sc_bundles>
// kernel: kernel.10.cloned.1.call-start
scs
__scs_entry_jumppad:
0x0: {  	(pc) =	sbr.rel $0x88, $3  }
0x1: {  	(tag) =	ssettag $0x0;
	lr =	simm.s32 $0x1  }
0x2: {  	[smem:$0x3F9B] =	sst lr;
	_ =	strace $0xD0000000  }
0x3: {  	_ = 	snop  }
0x4: {  	_ = 	snop  }
0x5: {  	_ = 	snop  }
0x6: {  	_ = 	snop  }
0x7: {  	_ = 	snop  }
__scs_overlays_trampoline_lowered:
0x8: {  	[smem:$0x3FAA] =	sst s0  }
0x9: {  	[smem:$0x3FAB] =	sst s1  }
0xa: {  	[smem:$0x3FAC] =	sst s2  }
0xb: {  	[smem:$0x3FAD] =	sst s3  }
0xc: {  	[smem:$0x3FAE] =	sst s4  }
0xd: {  	[smem:$0x3FAF] =	sst s5  }
0xe: {  	[smem:$0x3FB0] =	sst s6  }
0xf: {  	[smem:$0x3FB1] =	sst s7  }
0x10: {  	[smem:$0x3FB2] =	sst s8  }
0x11: {  	[smem:$0x3FB3] =	sst s9;
	s0 =	simm.s32 @!p0 $0x0  }
0x12: {  	s1 =	sld [smem:$0x3F99];
	s0 =	simm.s32 @p0 $0x1  }
0x13: {  	[smem:$0x3FB4] =	sst s0;
	s0 =	simm.s32 @!p1 $0x0  }
0x14: {  	s2 =	sld [smem:$0x3F98];
	s0 =	simm.s32 @p1 $0x1  }
0x15: {  	[smem:$0x3FB5] =	sst s0;
	s0 =	simm.s32 @!p2 $0x0  }
0x16: {  	s3 =	sld [smem:$0x3FDB];
	s0 =	simm.s32 @p2 $0x1  }
0x17: {  	s4 =	simm.s32 $0x1BF5;
	[smem:$0x3FB7] =	sst s0  }
0x18: {  	s0 =	sld [smem:$0x3F9A];
	_ =	swait.ge [sflag:s4], $0x0  }
0x19: {  	s7 =	sld [smem:$0x3F9B]  }
0x1a: {  	s8 =	sadd.s32 $0xFFFFE003, lr  }
0x1b: {  	s9 =	sadd.s32 $0xFFFFFEF7, lr;
	s5 =	simm.s32 $0xFFFFFFFF;
	p2 =	slt.u32 s8, $0xFFFFF086  }
0x1c: {  	p1 =	slt.u32 s9, $0xF7A;
	s5 =	simm.s32 @!p2 $0x0  }
0x1d: {  	s5 =	simm.s32 @p1 $0x1;
	p0 =	seq.s32 s7, s2  }
0x1e: {  	s7 =	smul.u32 @!p0 $0xF7A, s2;
	p2 =	seq.s32 @!p0 s5, $0x0  }
0x1f: {  	s9 =	smul.u32 $0xF7A, s1;
	s8 =	simm.s32 @!p0 $0x1BF5;
	p2 =	por !p2, p0  }
0x20: {  	[sflag:s8] =	ssyncset.s32 @!p0 $0xFFFFF086;
	s6 =	sadd.s32 @!p0 s3, s7;
	s7 =	simm.s32 @!p0 $0x108  }
0x21: {  	s3 =	sadd.s32 s3, s9;
	s6 =	sadd.s32 @!p0 $0x88, s6;
	s7 =	simm.s32 @p2 $0x1082  }
0x22: {  	[simem:s7], [sflag:s8] =	dma.local @!p0 [hbm:s6], $0xF7A  }
0x23: {  	s9 =	sor.u32 $0xD0000000, s2;
	s6 =	simm.s32 $0x108;
	_ =	swait.ge @!p0 [sflag:s8], $0x0  }
0x24: {  	s3 =	sadd.s32 $0x88, s3;
	s6 =	simm.s32 @!p1 $0x1082;
	[sflag:s4] =	ssyncset.s32 $0xFFFFF086  }
0x25: {  	[simem:s6], [sflag:s4] =	dma.local [hbm:s3], $0xF7A  }
0x26: {  	[smem:$0x3F9B] =	sst s1;
	(tag) =	ssettag s2;
	_ =	strace s9  }
0x27: {  	s1 =	sld [smem:$0x3FAB]  }
0x28: {  	s2 =	sld [smem:$0x3FAC]  }
0x29: {  	s4 =	sld [smem:$0x3FAE]  }
0x2a: {  	p0 =	seq.s32 s5, $0x0;
	s5 =	sld [smem:$0x3FAF]  }
0x2b: {  	s6 =	sld [smem:$0x3FB0]  }
0x2c: {  	s7 =	sld [smem:$0x3FB1]  }
0x2d: {  	s3 =	simm.s32 $0x108;
	s8 =	sld [smem:$0x3FB2]  }
0x2e: {  	s3 =	simm.s32 @!p0 $0x1082;
	s9 =	sld [smem:$0x3FB3]  }
0x2f: {  	lr =	sadd.s32 s0, s3;
	s0 =	sld [smem:$0x3FAA]  }
0x30: {  	s3 =	sld [smem:$0x3FAD]  }
0x31: {  	[smem:$0x3FB6] =	sst s10  }
0x32: {  	s10 =	sld [smem:$0x3FB4];
	_ =	sdelay $0x3  }
0x33: {  	p0 =	seq.s32 s10, $0x1;
	s10 =	sld [smem:$0x3FB6];
	_ =	sdelay $0x3  }
0x34: {  	[smem:$0x3FB6] =	sst s10  }
0x35: {  	s10 =	sld [smem:$0x3FB5];
	_ =	sdelay $0x3  }
0x36: {  	p1 =	seq.s32 s10, $0x1;
	s10 =	sld [smem:$0x3FB6];
	_ =	sdelay $0x3  }
0x37: {  	[smem:$0x3FB6] =	sst s10  }
0x38: {  	s10 =	sld [smem:$0x3FB7]  }
0x39: {  	_ = 	snop;
	(pc) =	sbr.ind lr, $3  }
0x3a: {  	_ = 	snop  }
0x3b: {  	_ = 	snop  }
0x3c: {  	p2 =	seq.s32 s10, $0x1;
	s10 =	sld [smem:$0x3FB6]  }
0x3d: {  	_ =	shalt  }
0x3e: {  	_ =	shalt  }
0x3f: {  	_ =	shalt  }
0x40: {  	_ =	shalt  }
0x41: {  	_ =	shalt  }
0x42: {  	_ =	shalt  }
0x43: {  	_ =	shalt  }
0x44: {  	_ =	shalt  }
0x45: {  	_ =	shalt  }
0x46: {  	_ =	shalt  }
0x47: {  	_ =	shalt  }
0x48: {  	_ =	shalt  }
0x49: {  	_ =	shalt  }
0x4a: {  	_ =	shalt  }
0x4b: {  	_ =	shalt  }
0x4c: {  	_ =	shalt  }
0x4d: {  	_ =	shalt  }
0x4e: {  	_ =	shalt  }
0x4f: {  	_ =	shalt  }
0x50: {  	_ =	shalt  }
0x51: {  	_ =	shalt  }
0x52: {  	_ =	shalt  }
0x53: {  	_ =	shalt  }
0x54: {  	_ =	shalt  }
0x55: {  	_ =	shalt  }
0x56: {  	_ =	shalt  }
0x57: {  	_ =	shalt  }
0x58: {  	_ =	shalt  }
0x59: {  	_ =	shalt  }
0x5a: {  	_ =	shalt  }
0x5b: {  	_ =	shalt  }
0x5c: {  	_ =	shalt  }
0x5d: {  	_ =	shalt  }
0x5e: {  	_ =	shalt  }
0x5f: {  	_ =	shalt  }
0x60: {  	_ =	shalt  }
0x61: {  	_ =	shalt  }
0x62: {  	_ =	shalt  }
0x63: {  	_ =	shalt  }
0x64: {  	_ =	shalt  }
0x65: {  	_ =	shalt  }
0x66: {  	_ =	shalt  }
0x67: {  	_ =	shalt  }
0x68: {  	_ =	shalt  }
0x69: {  	_ =	shalt  }
0x6a: {  	_ =	shalt  }
0x6b: {  	_ =	shalt  }
0x6c: {  	_ =	shalt  }
0x6d: {  	_ =	shalt  }
0x6e: {  	_ =	shalt  }
0x6f: {  	_ =	shalt  }
0x70: {  	_ =	shalt  }
0x71: {  	_ =	shalt  }
0x72: {  	_ =	shalt  }
0x73: {  	_ =	shalt  }
0x74: {  	_ =	shalt  }
0x75: {  	_ =	shalt  }
0x76: {  	_ =	shalt  }
0x77: {  	_ =	shalt  }
0x78: {  	_ =	shalt  }
0x79: {  	_ =	shalt  }
0x7a: {  	_ =	shalt  }
0x7b: {  	_ =	shalt  }
0x7c: {  	_ =	shalt  }
0x7d: {  	_ =	shalt  }
0x7e: {  	_ =	shalt  }
0x7f: {  	_ =	shalt  }
0x80: {  	_ =	shalt  }
0x81: {  	_ =	shalt  }
0x82: {  	_ =	shalt  }
0x83: {  	_ =	shalt  }
0x84: {  	_ =	shalt  }
0x85: {  	_ =	shalt  }
0x86: {  	_ =	shalt  }
0x87: {  	_ =	shalt  }
.Lfunc_end0:
.L_simem_size_0:
called_computation.1_lowered:
.L_overlay_start_0:
0x88: {  	s2 =	sld [smem:$0x3FD9]  }
0x89: {  	s3 =	sld [smem:$0x3FFE];
	_ =	sdelay $0x1  }
0x8a: {  	s1 =	srdreg.scid  }
0x8b: {  	s0 =	sand.u32 $0x1, s1  }
0x8c: {  	s16 =	sshll.u32 s0, $0xA;
	s2 =	sadd.s32 s3, s2  }
0x8d: {  	s2 =	sadd.s32 s2, s16  }
0x8e: {  	[smem:$0x3FC2] =	sst s2  }
0x8f: {  	_ = 	snop  }
0x90: {  	(tm) =	ssettm $0x1  }
0x91: {  	s17 =	sld [smem:$0x3FFB];
	_ =	sdelay $0x3  }
0x92: {  	_ =	strace s17  }
0x93: {  	s2 =	sld [smem:$0x3FFC];
	_ =	sdelay $0x3  }
0x94: {  	_ =	strace s2  }
0x95: {  	s2 =	sld [smem:$0x3FFD];
	_ =	sdelay $0x3  }
0x96: {  	_ =	strace s2  }
0x97: {  	_ =	strace $0x8FFFFFFF  }
0x98: {  	s18 =	sld [smem:$0x3FDB];
	_ =	sdelay $0x1  }
0x99: {  	s19 =	simm.s32 $_scs_section_size  }
0x9a: {  	s4 =	simm.s32 $_size__tile_overlayer_lowered;
	s5 =	simm.s32 $_tile_overlayer_lowered  }
0x9b: {  	s22 =	simm.s32 $0x1BFF;
	s21 =	sshll.u32 s5, $0x1;
	s2 =	sadd.s32 s19, s18  }
0x9c: {  	s6 =	simm.s32 $0x0;
	s20 =	sshll.u32 s4, $0x1;
	s4 =	sadd.s32 s21, s2  }
0x9d: {  	[timem:s6], [sflag:s22] =	dma.local [hbm:s4], s20  }
0x9e: {  	_ =	swait.ge [sflag:s22], s20  }
0x9f: {  	s3 =	ssub.s32 $0x0, s20;
	[sflag:s22] =	ssyncset.done $0x0  }
0xa0: {  	[sflag:s22] =	ssyncadd.s32 s3;
	_ =	sdelay $0x1  }
0xa1: {  	s23 =	simm.s32 $0x1B8B  }
0xa2: {  	_ =	swait.ge [sflag:s23], $0x1  }
0xa3: {  	[sflag:s23] =	ssyncset.done $0x0  }
0xa4: {  	s25 =	simm.s32 $0x1B8E;
	s24 =	sld [smem:$0x3FFE];
	[sflag:s23] =	ssyncadd.s32 $0xFFFFFFFF  }
0xa5: {  	s26 =	simm.s32 $execute0_lowered;
	[smem:$0x3FD2] =	sst s25  }
0xa6: {  	s4 =	sshll.u32 s26, $0x1;
	_ =	strace $0x80000049;
	[dreg:$0x1] =	wrdreg $0xFFFFFFFF  }
0xa7: {  	s28 =	simm.s32 $_size_execute0_lowered;
	s2 =	sadd.s32 s2, s4;
	[dreg:$0x0] =	wrdreg $0x0  }
0xa8: {  	s4 =	sshll.u32 s28, $0x1;
	[dreg:$0x2] =	wrdreg s2  }
0xa9: {  	[dreg:$0x3] =	wrdreg s4  }
0xaa: {  	[dreg:$0x4] =	wrdreg $0xC0  }
0xab: {  	_ =	task [dreg:s6], $0x5FFFF  }
0xac: {  	[dreg:$0x1] =	wrdreg $0xFFFFFFFF  }
0xad: {  	[dreg:$0x0] =	wrdreg $0x60  }
0xae: {  	[dreg:$0x2] =	wrdreg s24  }
0xaf: {  	[dreg:$0x3] =	wrdreg $0x170000  }
0xb0: {  	[dreg:$0x4] =	wrdreg $0x120000  }
0xb1: {  	[dreg:$0x5] =	wrdreg $0x9  }
0xb2: {  	_ =	task.clear_ibuf [dreg:s6], $0x6FFFF;
	_ =	strace $0x90000049  }
0xb3: {  	s29 =	simm.s32 $0x9;
	_ =	strace $0x8000004B  }
0xb4: {  	_ =	swait.ge [sflag:s29], $0x1  }
0xb5: {  	[sflag:s29] =	ssyncadd.s32 $0xFFFFFFFF  }
0xb6: {  	_ =	strace $0x9000004B  }
0xb7: {  	_ =	sfence  }
0xb8: {  	s30 =	sld [smem:$0x0];
	_ =	sdelay $0x2  }
0xb9: {  	s31 =	sshll.u32 s1, $0xD;
	s1 =	sshrl.u32 s1, $0x2  }
0xba: {  	s3 =	sand.u32 $0x4000, s31;
	s1 =	sadd.s32 s1, s30  }
0xbb: {  	s0 =	sor.u32 s3, s0;
	s1 =	sshll.u32 s1, $0x11  }
0xbc: {  	s0 =	sor.u32 s1, s0  }
0xbd: {  	s0 =	sadd.s32 $0x8F2B, s0  }
0xbe: {  	[sflag:s0] =	ssyncadd.remote.s32 $0x1  }
0xbf: {  	_ =	sfence.sel $0xFFFF  }
0xc0: {  	[dreg:$0x0] =	wrdreg $0xFFFFFFFF;
	(pc) =	sbr.abs _section_cstart, $3  }
0xc1: {  	[dreg:$0x1] =	wrdreg $0xFFFFFFFF  }
0xc2: {  	_ =	task.clear_ibuf [dreg:s6], $0x2FFFF;
	_ =	strace $0x9FFFFFFF  }
0xc3: {  	(tm) =	ssettm $0x7FFFFFFF  }
tec
execute0_lowered:
.L_overlay_start_1:
0x0: {  	(tag) =	ssettag $0x1  }
0x1: {  	s0 =	rddreg [dreg:$0x0]  }
0x2: {  	s2 =	rddreg [dreg:$0x1]  }
0x3: {  	s3 =	rddreg [dreg:$0x2]  }
0x4: {  	s11 =	stileid.u32;
	s1 =	srdreg.scid  }
0x5: {  	s4 =	simm.s32 $0x0;
	s12 =	simm.s32 $0x11;
	s16 =	simm.s32 $0x80  }
0x6: {  	s17 =	simm.s32 $0x5000;
	s18 =	simm.s32 $0x6000;
	s20 =	simm.s32 $0x7000  }
0x7: {  	s28 =	simm.s32 $0x3;
	s29 =	simm.s32 $0xB000;
	s30 =	simm.s32 $0x4  }
0x8: {  	s31 =	simm.s32 $0xC000;
	s6 =	smul.u32 $0x5000, s11;
	s1 =	sand.u32 $0x1, s1  }
0x9: {  	[smem:$0x7FF] =	sst s4;
	s5 =	sshll.u32 s11, $0x1;
	s25 =	sshll.u32 s11, $0x6  }
0xa: {  	s11 =	simm.s32 $0x8;
	s7 =	smul.u32 $0x50000, s1;
	_ =	strace $0x8000004A  }
0xb: {  	s5 =	sor.u32 s1, s5;
	s1 =	ssub.s32 $0x2, s1;
	s13 =	sor.u32 $0x1C11, s25  }
0xc: {  	s25 =	simm.s32 $0x2;
	s8 =	sshrl.u32 s6, $0x3;
	s5 =	smul.u32 $0x500, s5  }
0xd: {  	s9 =	sshrl.u32 s1, $0x1;
	s7 =	sadd.s32 s6, s7;
	s8 =	sadd.s32 s8, s0  }
0xe: {  	s1 =	ssub.s32 s1, s9;
	s7 =	sshrl.u32 s7, $0x3;
	s10 =	sadd.s32 s5, s0  }
0xf: {  	s5 =	sadd.s32 s6, s2;
	s6 =	sadd.s32 s6, s3;
	s21 =	sadd.s32 $0xB800, s8  }
0x10: {  	s24 =	smax.u32 s1, $0x1;
	s1 =	simm.s32 $0x7;
	s0 =	sadd.s32 s7, s0  }
0x11: {  	[dreg:$0x4] =	wrdreg s21;
	s22 =	sadd.s32 $0x15800, s10;
	s23 =	sadd.s32 $0x1800, s10  }
.Ltmp0:
0x12: {  	[dreg:$0x8] =	wrdreg s24;
	s26 =	sshrl.u32 s6, $0x3;
	(pc) =	sbr.rel .LBB2_1-.Ltmp0, $4  }
0x13: {  	s24 =	simm.s32 $0x9000;
	s21 =	simm.s32 $0xB;
	[dreg:$0x5] =	wrdreg s22  }
0x14: {  	s6 =	simm.s32 $0xC;
	[dreg:$0x6] =	wrdreg s23;
	s0 =	sadd.s32 $0x47800, s0  }
0x15: {  	[dreg:$0x9] =	wrdreg s26;
	s22 =	simm.s32 $0x8000;
	s23 =	simm.s32 $0x1  }
0x16: {  	v0 =	vimm.f32 $0.0e+00;
	s26 =	simm.s32 $0xA000;
	[dreg:$0x7] =	wrdreg s0;
	s0 =	simm.s32 $0x5  }
.LBB2_6:
0x17: {  	_ =	swait.ge [sflag:s11], $0x1000  }
0x18: {  	[sflag:s11] =	ssyncset.done $0x0  }
0x19: {  	s15 =	simm.s32 $0x9;
	[sflag:s11] =	ssyncadd.s32 $0xFFFFF000  }
0x1a: {  	[spmem:s2] =	stream.indirect.scatter.add.f32 [tilespmem:s31], [sflag:$0x10], $0x20, s7, s16, $0xb8;
	[tilespmem:$0x1C000] =	vst v63  }
0x1b: {  	_ =	swait.ge [sflag:s15], $0x1000  }
0x1c: {  	[sflag:s15] =	ssyncset.done $0x0  }
0x1d: {  	s19 =	simm.s32 $0xA;
	[sflag:s15] =	ssyncadd.s32 $0xFFFFF000  }
0x1e: {  	_ =	swait.ge [sflag:s19], $0x1000  }
0x1f: {  	[sflag:s19] =	ssyncset.done $0x0  }
0x20: {  	[sflag:s19] =	ssyncadd.s32 $0xFFFFF000  }
0x21: {  	_ =	swait.ge [sflag:s21], $0x1000  }
0x22: {  	[sflag:s21] =	ssyncset.done $0x0  }
0x23: {  	[sflag:s21] =	ssyncadd.s32 $0xFFFFF000  }
0x24: {  	_ =	swait.ge [sflag:s6], $0x1000  }
0x25: {  	[sflag:s6] =	ssyncset.done $0x0  }
0x26: {  	s8 =	simm.s32 $0xD;
	[sflag:s6] =	ssyncadd.s32 $0xFFFFF000  }
0x27: {  	_ =	swait.ge [sflag:s8], $0x1000  }
0x28: {  	[sflag:s8] =	ssyncset.done $0x0  }
0x29: {  	s9 =	simm.s32 $0xE;
	[sflag:s8] =	ssyncadd.s32 $0xFFFFF000  }
0x2a: {  	_ =	swait.ge [sflag:s9], $0x1000  }
0x2b: {  	[sflag:s9] =	ssyncset.done $0x0  }
0x2c: {  	s10 =	simm.s32 $0xF;
	[sflag:s9] =	ssyncadd.s32 $0xFFFFF000  }
0x2d: {  	_ =	swait.ge [sflag:s10], $0x1000  }
0x2e: {  	[sflag:s10] =	ssyncset.done $0x0  }
0x2f: {  	s14 =	simm.s32 $0x10;
	[sflag:s10] =	ssyncadd.s32 $0xFFFFF000  }
0x30: {  	_ =	swait.ge [sflag:s14], $0x1000  }
0x31: {  	[sflag:s14] =	ssyncset.done $0x0  }
0x32: {  	[sflag:s14] =	ssyncadd.s32 $0xFFFFF000  }
0x33: {  	[bflag:$0x0] =	sbarrier.arrive $0xFFFF  }
0x34: {  	s15 =	sshrl.u32 s5, $0x3;
	s8 =	rddreg [dreg:$0x7]  }
0x35: {  	[hbm:s8], [sflag:s13] =	dma.local [spmem:s15], $0xA00  }
0x36: {  	_ =	swait.ge [sflag:s12], $0xA00  }
0x37: {  	s4 =	sadd.s32 $0x1, s4;
	s19 =	rddreg [dreg:$0x8]  }
0x38: {  	p0 =	sne.s32 s4, s19  }
.Ltmp1:
0x39: {  	_ = 	snop;
	(pc) =	sbr.rel @!p0 .LBB2_7-.Ltmp1, $3  }
0x3a: {  	_ =	sdelay $0x1  }
0x3b: {  	[sflag:s12] =	ssyncset.done $0x0  }
0x3c: {  	[sflag:s12] =	ssyncadd.s32 $0xFFFFF600  }
.LBB2_1:
0x3d: {  	s14 =	simm.s32 $0x80;
	s7 =	simm.s32 $0x0  }
.LBB2_2:
0x3e: {  	p0 =	sne.s32 s14, $0x13F80;
	[tilespmem:s7+$0xD000] =	vst v0;
	s15 =	smov.u32 s14;
	s14 =	sadd.s32 $0x80, s14  }
.Ltmp2:
0x3f: {  	[tilespmem:s7+$0xD010] =	vst v0;
	(pc) =	sbr.rel @p0 .LBB2_2-.Ltmp2, $2  }
0x40: {  	_ =	sdelay $0x2  }
0x41: {  	s7 =	sshra.s32 s15, $0x2  }
0x42: {  	[tilespmem:s7+$0xD000] =	vst v0  }
0x43: {  	[tilespmem:s7+$0xD010] =	vst v0;
	s15 =	simm.s32 $0xD000  }
0x44: {  	[spmem:s5] =	stream.linear.scatter [tilespmem:s15], [sflag:$0x11], $0x5000, $0x38;
	[tilespmem:$0x1C000] =	vst v63  }
0x45: {  	_ =	swait.ge [sflag:s12], $0x5000  }
0x46: {  	[sflag:s12] =	ssyncset.done $0x0;
	s19 =	rddreg [dreg:$0x4]  }
0x47: {  	s8 =	rddreg [dreg:$0x9];
	[sflag:s12] =	ssyncadd.s32 $0xFFFFB000  }
0x48: {  	[spmem:s8], [sflag:s13] =	dma.local [hbm:s19], $0xA00  }
0x49: {  	_ =	swait.ge [sflag:s12], $0xA00  }
0x4a: {  	[sflag:s12] =	ssyncset.done $0x0  }
0x4b: {  	s14 =	simm.s32 $0x0;
	s8 =	rddreg [dreg:$0x5];
	[sflag:s12] =	ssyncadd.s32 $0xFFFFF600  }
0x4c: {  	[tilespmem:s14], [sflag:$0x11] =	stream.linear.gather [hbm4b:s8+s14], $0x2800, $0x38;
	[tilespmem:$0x1C000] =	vst v63  }
0x4d: {  	_ =	swait.ge [sflag:s12], $0x2800  }
0x4e: {  	[sflag:s12] =	ssyncset.done $0x0  }
0x4f: {  	s10 =	simm.s32 $0x2800;
	s9 =	rddreg [dreg:$0x6];
	[sflag:s12] =	ssyncadd.s32 $0xFFFFD800  }
0x50: {  	[tilespmem:s10], [sflag:$0x11] =	stream.linear.gather [hbm4b:s9+s14], $0x2800, $0x38;
	[tilespmem:$0x1C000] =	vst v63  }
0x51: {  	_ =	swait.ge [sflag:s12], $0x2800  }
0x52: {  	[sflag:s12] =	ssyncset.done $0x0  }
0x53: {  	[sflag:s12] =	ssyncadd.s32 $0xFFFFD800  }
0x54: {  	[bflag:$0x0] =	sbarrier.arrive $0xFFFF  }
0x55: {  	[tilespmem:s17], [sflag:$0x1] =	stream.indirect.gather [spmem:s3], $0x20, s14, s16, $0xb8;
	[tilespmem:$0x1C000] =	vst v63  }
0x56: {  	_ = 	snop  }
0x57: {  	[tilespmem:s18], [sflag:$0x2] =	stream.indirect.gather [spmem:s3], $0x20, s16, s16, $0xb8;
	[tilespmem:$0x1C000] =	vst v63  }
0x58: {  	s15 =	simm.s32 $0x100  }
0x59: {  	[tilespmem:s20], [sflag:$0x3] =	stream.indirect.gather [spmem:s3], $0x20, s15, s16, $0xb8;
	[tilespmem:$0x1C000] =	vst v63  }
0x5a: {  	s19 =	simm.s32 $0x180;
	s15 =	simm.s32 $0xFFFFFFF8  }
0x5b: {  	[tilespmem:s22], [sflag:$0x4] =	stream.indirect.gather [spmem:s3], $0x20, s19, s16, $0xb8;
	[tilespmem:$0x1C000] =	vst v63  }
.LBB2_4:
0x5c: {  	_ =	swait.ge [sflag:s23], $0x1000  }
0x5d: {  	s19 =	sshra.s32 s14, $0x2;
	[sflag:s23] =	ssyncset.done $0x0  }
0x5e: {  	p0 =	sgt.u32 s15, $0x47;
	s7 =	sadd.s32 $0x2800, s19;
	[sflag:s23] =	ssyncadd.s32 $0xFFFFF000  }
0x5f: {  	[spmem:s2] =	stream.indirect.scatter.add.f32 [tilespmem:s17], [sflag:$0x9], $0x20, s7, s16, $0xb8;
	[tilespmem:$0x1C000] =	vst v63  }
0x60: {  	s7 =	simm.s32 @!p0 $0xD  }
0x61: {  	_ =	swait.ge @!p0 [sflag:s7], $0x1000  }
0x62: {  	[sflag:s7] =	ssyncset.done @!p0 $0x0  }
0x63: {  	s8 =	sadd.s32 $0x200, s19;
	[sflag:s7] =	ssyncadd.s32 @!p0 $0xFFFFF000  }
0x64: {  	[tilespmem:s24], [sflag:$0x5] =	stream.indirect.gather [spmem:s3], $0x20, s8, s16, $0xb8;
	[tilespmem:$0x1C000] =	vst v63  }
0x65: {  	_ =	swait.ge [sflag:s25], $0x1000  }
0x66: {  	[sflag:s25] =	ssyncset.done $0x0  }
0x67: {  	s9 =	sadd.s32 $0x2880, s19;
	s7 =	simm.s32 @!p0 $0xE;
	[sflag:s25] =	ssyncadd.s32 $0xFFFFF000  }
0x68: {  	[spmem:s2] =	stream.indirect.scatter.add.f32 [tilespmem:s18], [sflag:$0xA], $0x20, s9, s16, $0xb8;
	[tilespmem:$0x1C000] =	vst v63  }
0x69: {  	_ =	swait.ge @!p0 [sflag:s7], $0x1000  }
0x6a: {  	[sflag:s7] =	ssyncset.done @!p0 $0x0  }
0x6b: {  	s10 =	sadd.s32 $0x280, s19;
	[sflag:s7] =	ssyncadd.s32 @!p0 $0xFFFFF000  }
0x6c: {  	[tilespmem:s26], [sflag:$0x6] =	stream.indirect.gather [spmem:s3], $0x20, s10, s16, $0xb8;
	[tilespmem:$0x1C000] =	vst v63  }
0x6d: {  	_ =	swait.ge [sflag:s28], $0x1000  }
0x6e: {  	[sflag:s28] =	ssyncset.done $0x0  }
0x6f: {  	s8 =	sadd.s32 $0x2900, s19;
	s7 =	simm.s32 @!p0 $0xF;
	[sflag:s28] =	ssyncadd.s32 $0xFFFFF000  }
0x70: {  	[spmem:s2] =	stream.indirect.scatter.add.f32 [tilespmem:s20], [sflag:$0xB], $0x20, s8, s16, $0xb8;
	[tilespmem:$0x1C000] =	vst v63  }
0x71: {  	_ =	swait.ge @!p0 [sflag:s7], $0x1000  }
0x72: {  	[sflag:s7] =	ssyncset.done @!p0 $0x0  }
0x73: {  	s9 =	sadd.s32 $0x300, s19;
	[sflag:s7] =	ssyncadd.s32 @!p0 $0xFFFFF000  }
0x74: {  	[tilespmem:s29], [sflag:$0x7] =	stream.indirect.gather [spmem:s3], $0x20, s9, s16, $0xb8;
	[tilespmem:$0x1C000] =	vst v63  }
0x75: {  	_ =	swait.ge [sflag:s30], $0x1000  }
0x76: {  	p0 =	seq.s32 s14, $0x0;
	[sflag:s30] =	ssyncset.done $0x0  }
0x77: {  	s10 =	sadd.s32 $0x2980, s19;
	s7 =	simm.s32 @!p0 $0x10;
	[sflag:s30] =	ssyncadd.s32 $0xFFFFF000  }
0x78: {  	[spmem:s2] =	stream.indirect.scatter.add.f32 [tilespmem:s22], [sflag:$0xC], $0x20, s10, s16, $0xb8;
	[tilespmem:$0x1C000] =	vst v63  }
0x79: {  	_ =	swait.ge @!p0 [sflag:s7], $0x1000  }
0x7a: {  	[sflag:s7] =	ssyncset.done @!p0 $0x0  }
0x7b: {  	s8 =	sadd.s32 $0x380, s19;
	[sflag:s7] =	ssyncadd.s32 @!p0 $0xFFFFF000  }
0x7c: {  	[tilespmem:s31], [sflag:$0x8] =	stream.indirect.gather [spmem:s3], $0x20, s8, s16, $0xb8;
	[tilespmem:$0x1C000] =	vst v63  }
0x7d: {  	_ =	swait.ge [sflag:s0], $0x1000  }
0x7e: {  	p0 =	seq.s32 s14, $0x9000;
	[sflag:s0] =	ssyncset.done $0x0  }
0x7f: {  	s9 =	sadd.s32 $0x2A00, s19;
	s7 =	simm.s32 @p0 $0x6;
	[sflag:s0] =	ssyncadd.s32 $0xFFFFF000  }
0x80: {  	[spmem:s2] =	stream.indirect.scatter.add.f32 [tilespmem:s24], [sflag:$0xD], $0x20, s9, s16, $0xb8;
	[tilespmem:$0x1C000] =	vst v63  }
0x81: {  	_ =	swait.ge @p0 [sflag:s7], $0x1000  }
0x82: {  	[sflag:s7] =	ssyncset.done @p0 $0x0  }
0x83: {  	[sflag:s7] =	ssyncadd.s32 @p0 $0xFFFFF000;
	s7 =	sshra.s32 @p0 s14, $0x2  }
0x84: {  	s8 =	simm.s32 @p0 $0x80;
	s9 =	simm.s32 @p0 $0xA000;
	s7 =	sadd.s32 @p0 $0x2A80, s7  }
0x85: {  	[spmem:s2] =	stream.indirect.scatter.add.f32 @p0 [tilespmem:s9], [sflag:$0xE], $0x20, s7, s8, $0xb8;
	[tilespmem:$0x1C000] =	vst v63  }
0x86: {  	s7 =	simm.s32 @!p0 $0x9  }
0x87: {  	_ =	swait.ge @!p0 [sflag:s7], $0x1000  }
0x88: {  	[sflag:s7] =	ssyncset.done @!p0 $0x0  }
0x89: {  	[sflag:s7] =	ssyncadd.s32 @!p0 $0xFFFFF000;
	s7 =	sshra.s32 @!p0 s14, $0x2  }
0x8a: {  	s10 =	simm.s32 @!p0 $0x5000;
	s9 =	simm.s32 @!p0 $0x80;
	s8 =	sadd.s32 @!p0 $0x400, s7  }
0x8b: {  	[tilespmem:s10], [sflag:$0x1] =	stream.indirect.gather @!p0 [spmem:s3], $0x20, s8, s9, $0xb8;
	[tilespmem:$0x1C000] =	vst v63  }
0x8c: {  	s8 =	simm.s32 @!p0 $0x6  }
0x8d: {  	_ =	swait.ge @!p0 [sflag:s8], $0x1000  }
0x8e: {  	[sflag:s8] =	ssyncset.done @!p0 $0x0  }
0x8f: {  	s10 =	simm.s32 @!p0 $0xA000;
	[sflag:s8] =	ssyncadd.s32 @!p0 $0xFFFFF000;
	s8 =	sadd.s32 @!p0 $0x2A80, s7  }
0x90: {  	[spmem:s2] =	stream.indirect.scatter.add.f32 @!p0 [tilespmem:s10], [sflag:$0xE], $0x20, s8, s9, $0xb8;
	[tilespmem:$0x1C000] =	vst v63  }
0x91: {  	s8 =	simm.s32 @!p0 $0xA  }
0x92: {  	_ =	swait.ge @!p0 [sflag:s8], $0x1000  }
0x93: {  	[sflag:s8] =	ssyncset.done @!p0 $0x0  }
0x94: {  	s7 =	sadd.s32 @!p0 $0x480, s7;
	[sflag:s8] =	ssyncadd.s32 @!p0 $0xFFFFF000;
	s8 =	simm.s32 @!p0 $0x6000  }
0x95: {  	[tilespmem:s8], [sflag:$0x2] =	stream.indirect.gather @!p0 [spmem:s3], $0x20, s7, s9, $0xb8;
	[tilespmem:$0x1C000] =	vst v63  }
.Ltmp3:
0x96: {  	_ = 	snop;
	(pc) =	sbr.rel @p0 .LBB2_6-.Ltmp3, $4  }
0x97: {  	_ =	swait.ge [sflag:s1], $0x1000  }
0x98: {  	[sflag:s1] =	ssyncset.done $0x0  }
0x99: {  	s10 =	sadd.s32 $0x2B00, s19;
	s7 =	sadd.s32 $0x2B80, s19;
	[sflag:s1] =	ssyncadd.s32 $0xFFFFF000  }
0x9a: {  	[spmem:s2] =	stream.indirect.scatter.add.f32 [tilespmem:s29], [sflag:$0xF], $0x20, s10, s16, $0xb8;
	[tilespmem:$0x1C000] =	vst v63  }
0x9b: {  	_ =	swait.ge [sflag:s21], $0x1000  }
0x9c: {  	[sflag:s21] =	ssyncset.done $0x0  }
0x9d: {  	s8 =	sadd.s32 $0x500, s19;
	[sflag:s21] =	ssyncadd.s32 $0xFFFFF000  }
0x9e: {  	[tilespmem:s20], [sflag:$0x3] =	stream.indirect.gather [spmem:s3], $0x20, s8, s16, $0xb8;
	[tilespmem:$0x1C000] =	vst v63  }
0x9f: {  	_ =	swait.ge [sflag:s11], $0x1000  }
0xa0: {  	[sflag:s11] =	ssyncset.done $0x0  }
0xa1: {  	[sflag:s11] =	ssyncadd.s32 $0xFFFFF000  }
0xa2: {  	[spmem:s2] =	stream.indirect.scatter.add.f32 [tilespmem:s31], [sflag:$0x10], $0x20, s7, s16, $0xb8;
	[tilespmem:$0x1C000] =	vst v63  }
.Ltmp4:
0xa3: {  	_ = 	snop;
	(pc) =	sbr.rel .LBB2_4-.Ltmp4, $4  }
0xa4: {  	_ =	swait.ge [sflag:s6], $0x1000  }
0xa5: {  	s19 =	sadd.s32 $0x580, s19;
	[sflag:s6] =	ssyncset.done $0x0  }
0xa6: {  	s15 =	sadd.s32 $0x8, s15;
	s14 =	sadd.s32 $0x1000, s14;
	[sflag:s6] =	ssyncadd.s32 $0xFFFFF000  }
0xa7: {  	[tilespmem:s22], [sflag:$0x4] =	stream.indirect.gather [spmem:s3], $0x20, s19, s16, $0xb8;
	[tilespmem:$0x1C000] =	vst v63  }
.LBB2_7:
0xa8: {  	_ =	sfence.sel $0x180000  }
0xa9: {  	[bflag:$0x0] =	sbarrier.arrive $0xFFFF  }
0xaa: {  	_ =	strace $0x9000004A  }
0xab: {  	s0 =	stileid.u32;
	[bflag:$0x2] =	sbarrier.arrive $0xFFFF  }
0xac: {  	p0 =	sne.s32 s0, $0x0;
	s0 =	rddreg [dreg:$0x3]  }
0xad: {  	s0 =	sadd.s32 @!p0 $0x100000, s0  }
0xae: {  	[sflag:s0] =	ssyncadd.tile.s32 @!p0 $0x1;
	_ =	shalt  }
.Lfunc_end2:
_tile_overlayer_lowered:
.L_overlay_start_2:
0xaf: {  	(tag) =	ssettag $0x2  }
0xb0: {  	s0 =	rddreg [dreg:$0x0];
	s2 =	stileid.u32  }
0xb1: {  	s1 =	rddreg [dreg:$0x1];
	p0 =	sne.s32 s2, $0x0  }
0xb2: {  	s3 =	rddreg [dreg:$0x2];
	[bflag:$0x3] =	sbarrier.arrive $0xFFFF;
	s2 =	simm.s32 @!p0 $0x1C11  }
0xb3: {  	[timem:s3], [sflag:s2] =	dma.local @!p0 [hbm:s0], s1  }
0xb4: {  	s0 =	simm.s32 @!p0 $0x11  }
0xb5: {  	_ =	swait.ge @!p0 [sflag:s0], s1  }
0xb6: {  	s1 =	ssub.s32 @!p0 $0x0, s1;
	[sflag:s0] =	ssyncset.done @!p0 $0x0  }
0xb7: {  	[sflag:s0] =	ssyncadd.s32 @!p0 s1  }
0xb8: {  	[bflag:$0x3] =	sbarrier.arrive $0xFFFF  }
0xb9: {  	_ =	shalt  }

// kernel: kernel.7.cloned.1.call-start
scs
__scs_entry_jumppad:
0x0: {  	(pc) =	sbr.rel $0x88, $3  }
0x1: {  	(tag) =	ssettag $0x0;
	lr =	simm.s32 $0x1  }
0x2: {  	[smem:$0x3F9B] =	sst lr;
	_ =	strace $0xD0000000  }
0x3: {  	_ = 	snop  }
0x4: {  	_ = 	snop  }
0x5: {  	_ = 	snop  }
0x6: {  	_ = 	snop  }
0x7: {  	_ = 	snop  }
__scs_overlays_trampoline_lowered:
0x8: {  	[smem:$0x3FAA] =	sst s0  }
0x9: {  	[smem:$0x3FAB] =	sst s1  }
0xa: {  	[smem:$0x3FAC] =	sst s2  }
0xb: {  	[smem:$0x3FAD] =	sst s3  }
0xc: {  	[smem:$0x3FAE] =	sst s4  }
0xd: {  	[smem:$0x3FAF] =	sst s5  }
0xe: {  	[smem:$0x3FB0] =	sst s6  }
0xf: {  	[smem:$0x3FB1] =	sst s7  }
0x10: {  	[smem:$0x3FB2] =	sst s8  }
0x11: {  	[smem:$0x3FB3] =	sst s9;
	s0 =	simm.s32 @!p0 $0x0  }
0x12: {  	s1 =	sld [smem:$0x3F99];
	s0 =	simm.s32 @p0 $0x1  }
0x13: {  	[smem:$0x3FB4] =	sst s0;
	s0 =	simm.s32 @!p1 $0x0  }
0x14: {  	s2 =	sld [smem:$0x3F98];
	s0 =	simm.s32 @p1 $0x1  }
0x15: {  	[smem:$0x3FB5] =	sst s0;
	s0 =	simm.s32 @!p2 $0x0  }
0x16: {  	s3 =	sld [smem:$0x3FDB];
	s0 =	simm.s32 @p2 $0x1  }
0x17: {  	s4 =	simm.s32 $0x1BF5;
	[smem:$0x3FB7] =	sst s0  }
0x18: {  	s0 =	sld [smem:$0x3F9A];
	_ =	swait.ge [sflag:s4], $0x0  }
0x19: {  	s7 =	sld [smem:$0x3F9B]  }
0x1a: {  	s8 =	sadd.s32 $0xFFFFE003, lr  }
0x1b: {  	s9 =	sadd.s32 $0xFFFFFEF7, lr;
	s5 =	simm.s32 $0xFFFFFFFF;
	p2 =	slt.u32 s8, $0xFFFFF086  }
0x1c: {  	p1 =	slt.u32 s9, $0xF7A;
	s5 =	simm.s32 @!p2 $0x0  }
0x1d: {  	s5 =	simm.s32 @p1 $0x1;
	p0 =	seq.s32 s7, s2  }
0x1e: {  	s7 =	smul.u32 @!p0 $0xF7A, s2;
	p2 =	seq.s32 @!p0 s5, $0x0  }
0x1f: {  	s9 =	smul.u32 $0xF7A, s1;
	s8 =	simm.s32 @!p0 $0x1BF5;
	p2 =	por !p2, p0  }
0x20: {  	[sflag:s8] =	ssyncset.s32 @!p0 $0xFFFFF086;
	s6 =	sadd.s32 @!p0 s3, s7;
	s7 =	simm.s32 @!p0 $0x108  }
0x21: {  	s3 =	sadd.s32 s3, s9;
	s6 =	sadd.s32 @!p0 $0x88, s6;
	s7 =	simm.s32 @p2 $0x1082  }
0x22: {  	[simem:s7], [sflag:s8] =	dma.local @!p0 [hbm:s6], $0xF7A  }
0x23: {  	s9 =	sor.u32 $0xD0000000, s2;
	s6 =	simm.s32 $0x108;
	_ =	swait.ge @!p0 [sflag:s8], $0x0  }
0x24: {  	s3 =	sadd.s32 $0x88, s3;
	s6 =	simm.s32 @!p1 $0x1082;
	[sflag:s4] =	ssyncset.s32 $0xFFFFF086  }
0x25: {  	[simem:s6], [sflag:s4] =	dma.local [hbm:s3], $0xF7A  }
0x26: {  	[smem:$0x3F9B] =	sst s1;
	(tag) =	ssettag s2;
	_ =	strace s9  }
0x27: {  	s1 =	sld [smem:$0x3FAB]  }
0x28: {  	s2 =	sld [smem:$0x3FAC]  }
0x29: {  	s4 =	sld [smem:$0x3FAE]  }
0x2a: {  	p0 =	seq.s32 s5, $0x0;
	s5 =	sld [smem:$0x3FAF]  }
0x2b: {  	s6 =	sld [smem:$0x3FB0]  }
0x2c: {  	s7 =	sld [smem:$0x3FB1]  }
0x2d: {  	s3 =	simm.s32 $0x108;
	s8 =	sld [smem:$0x3FB2]  }
0x2e: {  	s3 =	simm.s32 @!p0 $0x1082;
	s9 =	sld [smem:$0x3FB3]  }
0x2f: {  	lr =	sadd.s32 s0, s3;
	s0 =	sld [smem:$0x3FAA]  }
0x30: {  	s3 =	sld [smem:$0x3FAD]  }
0x31: {  	[smem:$0x3FB6] =	sst s10  }
0x32: {  	s10 =	sld [smem:$0x3FB4];
	_ =	sdelay $0x3  }
0x33: {  	p0 =	seq.s32 s10, $0x1;
	s10 =	sld [smem:$0x3FB6];
	_ =	sdelay $0x3  }
0x34: {  	[smem:$0x3FB6] =	sst s10  }
0x35: {  	s10 =	sld [smem:$0x3FB5];
	_ =	sdelay $0x3  }
0x36: {  	p1 =	seq.s32 s10, $0x1;
	s10 =	sld [smem:$0x3FB6];
	_ =	sdelay $0x3  }
0x37: {  	[smem:$0x3FB6] =	sst s10  }
0x38: {  	s10 =	sld [smem:$0x3FB7]  }
0x39: {  	_ = 	snop;
	(pc) =	sbr.ind lr, $3  }
0x3a: {  	_ = 	snop  }
0x3b: {  	_ = 	snop  }
0x3c: {  	p2 =	seq.s32 s10, $0x1;
	s10 =	sld [smem:$0x3FB6]  }
0x3d: {  	_ =	shalt  }
0x3e: {  	_ =	shalt  }
0x3f: {  	_ =	shalt  }
0x40: {  	_ =	shalt  }
0x41: {  	_ =	shalt  }
0x42: {  	_ =	shalt  }
0x43: {  	_ =	shalt  }
0x44: {  	_ =	shalt  }
0x45: {  	_ =	shalt  }
0x46: {  	_ =	shalt  }
0x47: {  	_ =	shalt  }
0x48: {  	_ =	shalt  }
0x49: {  	_ =	shalt  }
0x4a: {  	_ =	shalt  }
0x4b: {  	_ =	shalt  }
0x4c: {  	_ =	shalt  }
0x4d: {  	_ =	shalt  }
0x4e: {  	_ =	shalt  }
0x4f: {  	_ =	shalt  }
0x50: {  	_ =	shalt  }
0x51: {  	_ =	shalt  }
0x52: {  	_ =	shalt  }
0x53: {  	_ =	shalt  }
0x54: {  	_ =	shalt  }
0x55: {  	_ =	shalt  }
0x56: {  	_ =	shalt  }
0x57: {  	_ =	shalt  }
0x58: {  	_ =	shalt  }
0x59: {  	_ =	shalt  }
0x5a: {  	_ =	shalt  }
0x5b: {  	_ =	shalt  }
0x5c: {  	_ =	shalt  }
0x5d: {  	_ =	shalt  }
0x5e: {  	_ =	shalt  }
0x5f: {  	_ =	shalt  }
0x60: {  	_ =	shalt  }
0x61: {  	_ =	shalt  }
0x62: {  	_ =	shalt  }
0x63: {  	_ =	shalt  }
0x64: {  	_ =	shalt  }
0x65: {  	_ =	shalt  }
0x66: {  	_ =	shalt  }
0x67: {  	_ =	shalt  }
0x68: {  	_ =	shalt  }
0x69: {  	_ =	shalt  }
0x6a: {  	_ =	shalt  }
0x6b: {  	_ =	shalt  }
0x6c: {  	_ =	shalt  }
0x6d: {  	_ =	shalt  }
0x6e: {  	_ =	shalt  }
0x6f: {  	_ =	shalt  }
0x70: {  	_ =	shalt  }
0x71: {  	_ =	shalt  }
0x72: {  	_ =	shalt  }
0x73: {  	_ =	shalt  }
0x74: {  	_ =	shalt  }
0x75: {  	_ =	shalt  }
0x76: {  	_ =	shalt  }
0x77: {  	_ =	shalt  }
0x78: {  	_ =	shalt  }
0x79: {  	_ =	shalt  }
0x7a: {  	_ =	shalt  }
0x7b: {  	_ =	shalt  }
0x7c: {  	_ =	shalt  }
0x7d: {  	_ =	shalt  }
0x7e: {  	_ =	shalt  }
0x7f: {  	_ =	shalt  }
0x80: {  	_ =	shalt  }
0x81: {  	_ =	shalt  }
0x82: {  	_ =	shalt  }
0x83: {  	_ =	shalt  }
0x84: {  	_ =	shalt  }
0x85: {  	_ =	shalt  }
0x86: {  	_ =	shalt  }
0x87: {  	_ =	shalt  }
.Lfunc_end0:
.L_simem_size_0:
called_computation_lowered:
.L_overlay_start_0:
0x88: {  	s2 =	sld [smem:$0x3FD9]  }
0x89: {  	s3 =	sld [smem:$0x3FFE];
	_ =	sdelay $0x1  }
0x8a: {  	s1 =	srdreg.scid  }
0x8b: {  	s0 =	sand.u32 $0x1, s1  }
0x8c: {  	s16 =	sshll.u32 s0, $0xA;
	s2 =	sadd.s32 s3, s2  }
0x8d: {  	s2 =	sadd.s32 s2, s16  }
0x8e: {  	[smem:$0x3FC2] =	sst s2  }
0x8f: {  	_ = 	snop  }
0x90: {  	(tm) =	ssettm $0x1  }
0x91: {  	s17 =	sld [smem:$0x3FFB];
	_ =	sdelay $0x3  }
0x92: {  	_ =	strace s17  }
0x93: {  	s2 =	sld [smem:$0x3FFC];
	_ =	sdelay $0x3  }
0x94: {  	_ =	strace s2  }
0x95: {  	s2 =	sld [smem:$0x3FFD];
	_ =	sdelay $0x3  }
0x96: {  	_ =	strace s2  }
0x97: {  	_ =	strace $0x8FFFFFFF  }
0x98: {  	s18 =	sld [smem:$0x3FDB];
	_ =	sdelay $0x1  }
0x99: {  	s19 =	simm.s32 $_scs_section_size  }
0x9a: {  	s4 =	simm.s32 $_size__tile_overlayer_lowered;
	s5 =	simm.s32 $_tile_overlayer_lowered  }
0x9b: {  	s22 =	simm.s32 $0x1BFF;
	s21 =	sshll.u32 s5, $0x1;
	s2 =	sadd.s32 s19, s18  }
0x9c: {  	s6 =	simm.s32 $0x0;
	s20 =	sshll.u32 s4, $0x1;
	s4 =	sadd.s32 s21, s2  }
0x9d: {  	[timem:s6], [sflag:s22] =	dma.local [hbm:s4], s20  }
0x9e: {  	_ =	swait.ge [sflag:s22], s20  }
0x9f: {  	s3 =	ssub.s32 $0x0, s20;
	[sflag:s22] =	ssyncset.done $0x0  }
0xa0: {  	[sflag:s22] =	ssyncadd.s32 s3;
	_ =	sdelay $0x1  }
0xa1: {  	s23 =	simm.s32 $0x1B8B  }
0xa2: {  	_ =	swait.ge [sflag:s23], $0x1  }
0xa3: {  	[sflag:s23] =	ssyncset.done $0x0  }
0xa4: {  	s25 =	simm.s32 $0x1B8E;
	s24 =	sld [smem:$0x3FFE];
	[sflag:s23] =	ssyncadd.s32 $0xFFFFFFFF  }
0xa5: {  	s26 =	simm.s32 $execute0_lowered;
	[smem:$0x3FD2] =	sst s25  }
0xa6: {  	s4 =	sshll.u32 s26, $0x1;
	_ =	strace $0x80000046;
	[dreg:$0x1] =	wrdreg $0xFFFFFFFF  }
0xa7: {  	s28 =	simm.s32 $_size_execute0_lowered;
	s2 =	sadd.s32 s2, s4;
	[dreg:$0x0] =	wrdreg $0x0  }
0xa8: {  	s4 =	sshll.u32 s28, $0x1;
	[dreg:$0x2] =	wrdreg s2  }
0xa9: {  	[dreg:$0x3] =	wrdreg s4  }
0xaa: {  	[dreg:$0x4] =	wrdreg $0xC0  }
0xab: {  	_ =	task [dreg:s6], $0x5FFFF  }
0xac: {  	[dreg:$0x1] =	wrdreg $0xFFFFFFFF  }
0xad: {  	[dreg:$0x0] =	wrdreg $0x60  }
0xae: {  	[dreg:$0x2] =	wrdreg s24  }
0xaf: {  	[dreg:$0x3] =	wrdreg $0x9  }
0xb0: {  	_ =	task.clear_ibuf [dreg:s6], $0x4FFFF;
	_ =	strace $0x90000046  }
0xb1: {  	s29 =	simm.s32 $0x9;
	_ =	strace $0x80000048  }
0xb2: {  	_ =	swait.ge [sflag:s29], $0x1  }
0xb3: {  	[sflag:s29] =	ssyncadd.s32 $0xFFFFFFFF  }
0xb4: {  	_ =	strace $0x90000048  }
0xb5: {  	_ =	sfence  }
0xb6: {  	s30 =	sld [smem:$0x0];
	_ =	sdelay $0x2  }
0xb7: {  	s31 =	sshll.u32 s1, $0xD;
	s1 =	sshrl.u32 s1, $0x2  }
0xb8: {  	s3 =	sand.u32 $0x4000, s31;
	s1 =	sadd.s32 s1, s30  }
0xb9: {  	s0 =	sor.u32 s3, s0;
	s1 =	sshll.u32 s1, $0x11  }
0xba: {  	s0 =	sor.u32 s1, s0  }
0xbb: {  	s0 =	sadd.s32 $0x8F2B, s0  }
0xbc: {  	[sflag:s0] =	ssyncadd.remote.s32 $0x1  }
0xbd: {  	_ =	sfence.sel $0xFFFF  }
0xbe: {  	[dreg:$0x0] =	wrdreg $0xFFFFFFFF;
	(pc) =	sbr.abs _section_cstart, $3  }
0xbf: {  	[dreg:$0x1] =	wrdreg $0xFFFFFFFF  }
0xc0: {  	_ =	task.clear_ibuf [dreg:s6], $0x2FFFF;
	_ =	strace $0x9FFFFFFF  }
0xc1: {  	(tm) =	ssettm $0x7FFFFFFF  }
tec
execute0_lowered:
.L_overlay_start_1:
0x0: {  	(tag) =	ssettag $0x1  }
0x1: {  	s1 =	srdreg.scid;
	s0 =	stileid.u32  }
0x2: {  	s4 =	sand.u32 $0x1, s1;
	s2 =	sshll.u32 s0, $0x1  }
0x3: {  	s3 =	rddreg [dreg:$0x0];
	s5 =	sor.u32 s4, s2  }
0x4: {  	s7 =	simm.s32 $0x2800;
	s8 =	simm.s32 $0x0;
	s5 =	smul.u32 $0x500, s5  }
0x5: {  	s1 =	rddreg [dreg:$0x1];
	s2 =	simm.s32 $0x0;
	s4 =	ssub.s32 $0x2, s4  }
0x6: {  	[smem:$0x7FF] =	sst s2;
	s6 =	sshrl.u32 s4, $0x1;
	s5 =	sadd.s32 s5, s3  }
0x7: {  	_ =	strace $0x80000047;
	s6 =	ssub.s32 s4, s6;
	s3 =	sadd.s32 $0x1800, s5  }
0x8: {  	v0 =	vimm.f32 $0.0e+00;
	v1 =	vimm.f32 $1.000000000e+00;
	s4 =	sadd.s32 $0xB800, s5;
	s5 =	smax.u32 s6, $0x1;
	s6 =	simm.s32 $0x1  }
.LBB2_1:
0x9: {  	s9 =	simm.s32 $0x40;
	s10 =	simm.s32 $0x0  }
.LBB2_2:
0xa: {  	p0 =	sne.s32 s9, $0x9FC0;
	[tilespmem:s10+$0x2800] =	vst v0;
	s10 =	smov.u32 s9;
	s9 =	sadd.s32 $0x40, s9  }
.Ltmp0:
0xb: {  	(pc) =	sbr.rel @p0 .LBB2_2-.Ltmp0, $2  }
0xc: {  	_ =	sdelay $0x2  }
0xd: {  	s10 =	sshra.s32 s10, $0x2  }
0xe: {  	[tilespmem:s10+$0x2800] =	vst v0;
	s9 =	simm.s32 $0x0  }
0xf: {  	[tilespmem:s9], [sflag:$0x1] =	stream.linear.gather [hbm4b:s3+s9], $0x2800, $0x38;
	[tilespmem:$0x5000] =	vst v63  }
0x10: {  	_ =	swait.ge [sflag:s6], $0x2800  }
0x11: {  	[sflag:s6] =	ssyncset.done $0x0  }
0x12: {  	[sflag:s6] =	ssyncadd.s32 $0xFFFFD800  }
.LBB2_4:
0x13: {  	s10 =	sshra.s32 s9, $0x2  }
0x14: {  	v2 =	vld [tilespmem:s10+$0x0];
	_ =	sdelay $0x7  }
0x15: {  	[tilespmem:v2+s7+$0x0] =	vst.idx.add.f32.msk $0xffff, v1  }
0x16: {  	v2 =	vld [tilespmem:s10+$0x10];
	_ =	sdelay $0x7  }
0x17: {  	[tilespmem:v2+s7+$0x0] =	vst.idx.add.f32.msk $0xffff, v1  }
0x18: {  	v2 =	vld [tilespmem:s10+$0x20];
	_ =	sdelay $0x7  }
0x19: {  	[tilespmem:v2+s7+$0x0] =	vst.idx.add.f32.msk $0xffff, v1  }
0x1a: {  	v2 =	vld [tilespmem:s10+$0x30];
	_ =	sdelay $0x7  }
0x1b: {  	[tilespmem:v2+s7+$0x0] =	vst.idx.add.f32.msk $0xffff, v1  }
0x1c: {  	v2 =	vld [tilespmem:s10+$0x40];
	_ =	sdelay $0x7  }
0x1d: {  	[tilespmem:v2+s7+$0x0] =	vst.idx.add.f32.msk $0xffff, v1  }
0x1e: {  	v2 =	vld [tilespmem:s10+$0x50];
	_ =	sdelay $0x7  }
0x1f: {  	[tilespmem:v2+s7+$0x0] =	vst.idx.add.f32.msk $0xffff, v1  }
0x20: {  	v2 =	vld [tilespmem:s10+$0x60];
	_ =	sdelay $0x7  }
0x21: {  	[tilespmem:v2+s7+$0x0] =	vst.idx.add.f32.msk $0xffff, v1  }
0x22: {  	v2 =	vld [tilespmem:s10+$0x70];
	_ =	sdelay $0x2  }
0x23: {  	p0 =	sne.s32 s9, $0x9E00  }
.Ltmp1:
0x24: {  	_ = 	snop;
	(pc) =	sbr.rel @p0 .LBB2_4-.Ltmp1, $2  }
0x25: {  	_ =	sdelay $0x2  }
0x26: {  	s9 =	sadd.s32 $0x200, s9;
	[tilespmem:v2+s7+$0x0] =	vst.idx.add.f32.msk $0xffff, v1  }
0x27: {  	s8 =	sadd.s32 $0x1, s8  }
0x28: {  	p0 =	sne.s32 s8, s5  }
.Ltmp2:
0x29: {  	_ = 	snop;
	(pc) =	sbr.rel @p0 .LBB2_1-.Ltmp2, $4  }
0x2a: {  	[hbm4b:s4+s2] =	stream.linear.scatter [tilespmem:s7], [sflag:$0x1], $0x2800, $0x38;
	[tilespmem:$0x5000] =	vst v63  }
0x2b: {  	_ =	swait.ge [sflag:s6], $0x2800  }
0x2c: {  	[sflag:s6] =	ssyncset.done $0x0  }
0x2d: {  	[sflag:s6] =	ssyncadd.s32 $0xFFFFD800  }
0x2e: {  	_ =	sfence.sel $0x180000  }
0x2f: {  	[bflag:$0x0] =	sbarrier.arrive $0xFFFF  }
0x30: {  	p0 =	sne.s32 s0, $0x0;
	_ =	strace $0x90000047  }
0x31: {  	s0 =	sadd.s32 @!p0 $0x100000, s1;
	[bflag:$0x2] =	sbarrier.arrive $0xFFFF  }
0x32: {  	[sflag:s0] =	ssyncadd.tile.s32 @!p0 $0x1;
	_ =	shalt  }
.Lfunc_end2:
_tile_overlayer_lowered:
.L_overlay_start_2:
0x33: {  	(tag) =	ssettag $0x2  }
0x34: {  	s0 =	rddreg [dreg:$0x0];
	s2 =	stileid.u32  }
0x35: {  	s1 =	rddreg [dreg:$0x1];
	p0 =	sne.s32 s2, $0x0  }
0x36: {  	s3 =	rddreg [dreg:$0x2];
	[bflag:$0x3] =	sbarrier.arrive $0xFFFF;
	s2 =	simm.s32 @!p0 $0x1C01  }
0x37: {  	[timem:s3], [sflag:s2] =	dma.local @!p0 [hbm:s0], s1  }
0x38: {  	s0 =	simm.s32 @!p0 $0x1  }
0x39: {  	_ =	swait.ge @!p0 [sflag:s0], s1  }
0x3a: {  	s1 =	ssub.s32 @!p0 $0x0, s1;
	[sflag:s0] =	ssyncset.done @!p0 $0x0  }
0x3b: {  	[sflag:s0] =	ssyncadd.s32 @!p0 s1  }
0x3c: {  	[bflag:$0x3] =	sbarrier.arrive $0xFFFF  }
0x3d: {  	_ =	shalt  }

</sc_bundles>
